<compile_context>
chip_gen: v7x
topology: tpu7x:2x2x1
jax: 0.10.2.dev20260603
libtpu: 0.0.44.dev20260713+nightly
codegen_flags: <defaults>
</compile_context>

<pallas_src>
import functools

import jax
import jax.numpy as jnp
from jax import lax
from jax.experimental import pallas as pl
from jax.experimental.pallas import tpu as pltpu
from jax.experimental.pallas import tpu_sc as plsc


def _logits_kernel(x_ref, wr_ref, lg_ref, u_ref, mx_ref):
    xb = x_ref[0]
    wr = wr_ref[0]
    lg = jnp.sum(xb * wr[None, :], axis=1)
    lg_ref[0, 0, 0, :] = lg
    bits = jax.lax.bitcast_convert_type(lg, jnp.int32)
    m = jnp.where(bits >= 0, bits, bits ^ jnp.int32(0x7FFFFFFF))
    u_ref[0, 0, 0, :] = m ^ jnp.int32(-(2**31))
    mx_ref[0, 0, 0, :] = jnp.full((16,), jnp.max(lg), jnp.float32)


def _route_sc_body(topk, b, s, nj, lg_hbm, u_hbm, mx_hbm, e_hbm, z_hbm,
                   lg_v, u_v, e_v, hist_v, mx_v, z_v, sem):
    nv = s // 16
    int_min = jnp.int32(-(2**31))
    wid = lax.axis_index("s") * 2 + lax.axis_index("c")

    @pl.when(wid < b)
    def _():
        pltpu.sync_copy(lg_hbm.at[wid], lg_v)
        pltpu.sync_copy(u_hbm.at[wid], u_v)
        pltpu.sync_copy(mx_hbm.at[wid], mx_v)

        un = 8

        mx = mx_v[pl.ds(0, 16)]
        for q in range(1, nj):
            mx = jnp.maximum(mx, mx_v[pl.ds(q * 16, 16)])

        pref = jnp.int32(0)
        k_rem = jnp.int32(topk)
        ones16 = jnp.ones((16,), jnp.int32)
        zeros16 = jnp.zeros((16,), jnp.int32)

        for lvl in range(2):
            shift = 24 - 8 * lvl

            for j in range(24):
                hist_v[pl.ds(j * 16, 16)] = zeros16

            pref_now = pref

            def fh(i, _):
                for q in range(un):
                    u = u_v[pl.ds((i * un + q) * 16, 16)]
                    byte = lax.shift_right_logical(u, shift) & 0xFF
                    if lvl == 0:
                        plsc.addupdate_scatter(hist_v, [byte], ones16)
                    else:
                        inpre = (lax.shift_right_logical(u, shift + 8)
                                 == pref_now)
                        plsc.addupdate_scatter(hist_v, [byte], ones16,
                                               mask=inpre)
                return 0

            lax.fori_loop(0, nv // un, fh, 0)

            def sc_cond(st):
                return jnp.logical_not(st[0])

            def sc_body(st):
                found, c, above, cbyte, krem = st
                h = hist_v[pl.ds(c, 16)][0]
                hit = (above + h) >= krem
                return (hit, c - 1,
                        jnp.where(hit, above, above + h),
                        jnp.where(hit, c, cbyte),
                        jnp.where(hit, krem - above, krem))

            st = lax.while_loop(
                sc_cond, sc_body,
                (jnp.bool_(False), jnp.int32(255), jnp.int32(0),
                 jnp.int32(0), k_rem))
            cbyte, k_rem = st[3], st[4]
            pref = (pref << 8) | cbyte

        thr_s = (pref << 16) ^ int_min

        def p5(i, zacc):
            for q in range(un):
                u = u_v[pl.ds((i * un + q) * 16, 16)]
                v = lg_v[pl.ds((i * un + q) * 16, 16)]
                sel = (u ^ int_min) >= thr_s
                e = jnp.where(sel, jnp.exp(v - mx), 0.0)
                e_v[pl.ds((i * un + q) * 16, 16)] = e
                zacc = zacc + e
            return zacc

        zvec = lax.fori_loop(0, nv // un, p5, jnp.zeros((16,), jnp.float32))
        z_v[...] = zvec
        pltpu.sync_copy(e_v, e_hbm.at[wid])
        pltpu.sync_copy(z_v, z_hbm.at[wid])


def _block_kernel(x_ref, w_ref, z_ref, wb_ref, o_ref):
    xb = x_ref[0]
    zinv = 1.0 / jnp.sum(z_ref[0, 0, 0, :])
    w = w_ref[0, 0, 0, :] * zinv
    z = (xb * w[:, None]).astype(jnp.bfloat16)
    y = jax.lax.dot_general(z, wb_ref[...], (((1,), (1,)), ((), ())),
                            preferred_element_type=jnp.float32)
    o_ref[0] = xb + y


def kernel(x, Wr, Wblk):
    b, s, d = x.shape
    topk = s // 2
    ts = min(1024, s)
    nj = s // ts

    lg4 = pl.pallas_call(
        _logits_kernel,
        grid=(b, nj),
        in_specs=[
            pl.BlockSpec((1, ts, d), lambda i, j: (i, j, 0)),
            pl.BlockSpec((1, d), lambda i, j: (0, 0)),
        ],
        out_specs=[
            pl.BlockSpec((1, 1, 1, ts), lambda i, j: (i, j, 0, 0)),
            pl.BlockSpec((1, 1, 1, ts), lambda i, j: (i, j, 0, 0)),
            pl.BlockSpec((1, 1, 1, 16), lambda i, j: (i, j, 0, 0)),
        ],
        out_shape=[
            jax.ShapeDtypeStruct((b, nj, 1, ts), jnp.float32),
            jax.ShapeDtypeStruct((b, nj, 1, ts), jnp.int32),
            jax.ShapeDtypeStruct((b, nj, 1, 16), jnp.float32),
        ],
        compiler_params=pltpu.CompilerParams(
            dimension_semantics=("parallel", "parallel")),
    )(x, Wr)

    lg4, u4, mx4 = lg4
    lg = lg4.reshape(b, s)
    u = u4.reshape(b, s)
    mx = mx4.reshape(b, nj * 16)

    mesh = plsc.VectorSubcoreMesh(core_axis_name="c", subcore_axis_name="s",
                                  num_cores=2, num_subcores=16)
    route = pl.kernel(
        functools.partial(_route_sc_body, topk, b, s, nj),
        out_type=[
            jax.ShapeDtypeStruct((b, s), jnp.float32),
            jax.ShapeDtypeStruct((b, 16), jnp.float32),
        ],
        mesh=mesh,
        scratch_types=[
            pltpu.VMEM((s,), jnp.float32),
            pltpu.VMEM((s,), jnp.int32),
            pltpu.VMEM((s,), jnp.float32),
            pltpu.VMEM((384,), jnp.int32),
            pltpu.VMEM((nj * 16,), jnp.float32),
            pltpu.VMEM((16,), jnp.float32),
            pltpu.SemaphoreType.DMA,
        ],
        compiler_params=pltpu.CompilerParams(needs_layout_passes=False),
    )
    e, zp = route(lg, u, mx)

    w4 = e.reshape(b, nj, 1, ts)
    z4 = zp.reshape(b, 1, 1, 16)

    out = pl.pallas_call(
        _block_kernel,
        grid=(b, nj),
        in_specs=[
            pl.BlockSpec((1, ts, d), lambda i, j: (i, j, 0)),
            pl.BlockSpec((1, 1, 1, ts), lambda i, j: (i, j, 0, 0)),
            pl.BlockSpec((1, 1, 1, 16), lambda i, j: (i, 0, 0, 0)),
            pl.BlockSpec((d, d), lambda i, j: (0, 0)),
        ],
        out_specs=pl.BlockSpec((1, ts, d), lambda i, j: (i, j, 0)),
        out_shape=jax.ShapeDtypeStruct((b, s, d), jnp.float32),
        compiler_params=pltpu.CompilerParams(
            dimension_semantics=("parallel", "parallel")),
    )(x, w4, z4, Wblk.astype(jnp.bfloat16))

    return out

# --- scband reference (transcript-rebuilt; emitter-appended) ---
"""Pipeline reference for scband-mo-d-3513283248419 (READ-ONLY COPY).

The authoritative reference and input builder live on the scoring server;
editing this copy changes nothing except your own understanding.
"""

import jax, jax.numpy as jnp
import numpy as np

DIM = 1024
CAP = 0.5


def setup_inputs(seed: int = 0) -> dict:
    key = jax.random.key(seed)
    k1, k2, k3 = jax.random.split(key, 3)
    b, s, d = 4, 8192, DIM
    x = jax.random.normal(k1, (b, s, d), dtype=jnp.float32)
    # router: nn.Linear(dim, 1, bias=False) -> weight [1, dim]
    Wr = jax.random.normal(k2, (1, d), dtype=jnp.float32) * (1.0 / np.sqrt(d))
    # transformer_block stand-in: single dense d->d (see notes)
    Wblk = jax.random.normal(k3, (d, d), dtype=jnp.float32) * (1.0 / np.sqrt(d))
    return {"x": x, "Wr": Wr, "Wblk": Wblk}


def reference(x, Wr, Wblk):
    b, s, d = x.shape
    top_k = int(s * CAP)
    # router_logits = self.router(x)  -> [b, s, 1], squeeze to [b, s]
    router_logits = jnp.einsum('bsd,od->bso', x, Wr)[..., 0]
    # torch.topk(router_logits, top_k, dim=1, sorted=False)
    token_weights, token_index = jax.lax.top_k(router_logits, top_k)  # [b, k]
    # selected_tokens, index = torch.sort(token_index, dim=1)
    perm = jnp.argsort(token_index, axis=1)
    selected_tokens = jnp.take_along_axis(token_index, perm, axis=1)  # [b, k]
    # filtered_x = torch.gather(x, 1, indices_expanded)
    filtered_x = jnp.take_along_axis(x, selected_tokens[:, :, None], axis=1)  # [b, k, d]
    # x_out = self.transformer_block(filtered_x)
    x_out = filtered_x @ Wblk.T
    # token_weights = F.softmax(token_weights, dim=1); r_weights = gather(token_weights, 1, index)
    tw = jax.nn.softmax(token_weights, axis=1)
    r_weights = jnp.take_along_axis(tw, perm, axis=1)[:, :, None]  # [b, k, 1]
    xw_out = r_weights * x_out
    # out = torch.scatter_add(x, 1, indices_expanded, xw_out)
    batch_idx = jnp.arange(b)[:, None]
    out = x.at[batch_idx, selected_tokens].add(xw_out)
    return out

if __name__ == "__main__":
    import jax
    _d = setup_inputs()
    print(jax.jit(kernel)(*tuple(_d.values())))

</pallas_src>

<mosaic_0001>
#map = affine_map<(d0, d1) -> (0, 0)>
module attributes {stable_mosaic.version = 14 : i64} {
  func.func @_route_sc_body(%arg0: i32, %arg1: i32, %arg2: memref<4x8192xf32, #tpu.memory_space<hbm>>, %arg3: memref<4x8192xi32, #tpu.memory_space<hbm>>, %arg4: memref<4x128xf32, #tpu.memory_space<hbm>>, %arg5: memref<4x8192xf32, #tpu.memory_space<hbm>>, %arg6: memref<4x16xf32, #tpu.memory_space<hbm>>, %arg7: memref<8192xf32, #tpu.memory_space<vmem>>, %arg8: memref<8192xi32, #tpu.memory_space<vmem>>, %arg9: memref<8192xf32, #tpu.memory_space<vmem>>, %arg10: memref<384xi32, #tpu.memory_space<vmem>>, %arg11: memref<128xf32, #tpu.memory_space<vmem>>, %arg12: memref<16xf32, #tpu.memory_space<vmem>>, %arg13: memref<!tpu.dma_semaphore, #tpu.memory_space<semaphore_mem>>) attributes {dimension_semantics = [#tpu.dimension_semantics<core_parallel>, #tpu.dimension_semantics<subcore_parallel>], iteration_bounds = array<i64: 2, 16>, scalar_prefetch = 0 : i64, scratch_operands = 7 : i64, tpu.core_type = #tpu.core_type<sc_vector_subcore>, window_params = [{transform_indices = #map}, {transform_indices = #map}, {transform_indices = #map}, {transform_indices = #map}, {transform_indices = #map}]} {
    %mul3A = arith.constant 2 : i32
    %mul3A_0 = arith.muli %arg1, %mul3A : i32
    %add3A = arith.addi %mul3A_0, %arg0 : i32
    %lt3A = arith.constant 4 : i32
    %lt3A_1 = arith.cmpi slt, %add3A, %lt3A : i32
    %convert_element_type3A = arith.extui %lt3A_1 : i1 to i32
    %cond3A = arith.constant -2147483648 : i32
    %cond3A_2 = arith.constant 0 : i32
    %cond3A_3 = arith.cmpi ne, %convert_element_type3A, %cond3A_2 : i32
    scf.if %cond3A_3 {
      "tpu.region"() ({
        %run_scoped3A = tpu.sem_alloc : memref<!tpu.dma_semaphore, #tpu.memory_space<semaphore_mem>>
        %dma_start3A = arith.constant 0 : i32
        %dma_start3A_163 = tpu.memref_slice %arg2[%add3A, %dma_start3A] : memref<4x8192xf32, #tpu.memory_space<hbm>> -> memref<1x8192xf32, #tpu.memory_space<hbm>>
        %dma_start3A_164 = tpu.memref_squeeze %dma_start3A_163 : memref<1x8192xf32, #tpu.memory_space<hbm>> -> memref<8192xf32, #tpu.memory_space<hbm>>
        %dma_start3A_165 = arith.constant 0 : i32
        %dma_start3A_166 = tpu.memref_slice %arg2[%add3A, %dma_start3A_165] : memref<4x8192xf32, #tpu.memory_space<hbm>> -> memref<1x8192xf32, #tpu.memory_space<hbm>>
        %dma_start3A_167 = tpu.memref_squeeze %dma_start3A_166 : memref<1x8192xf32, #tpu.memory_space<hbm>> -> memref<8192xf32, #tpu.memory_space<hbm>>
        tpu.enqueue_dma source(%dma_start3A_167 : memref<8192xf32, #tpu.memory_space<hbm>>) target(%arg7 : memref<8192xf32, #tpu.memory_space<vmem>>) target_semaphore(%run_scoped3A : memref<!tpu.dma_semaphore, #tpu.memory_space<semaphore_mem>>)
        %dma_wait3A = arith.constant 0 : i32
        %dma_wait3A_168 = tpu.memref_slice %arg2[%add3A, %dma_wait3A] : memref<4x8192xf32, #tpu.memory_space<hbm>> -> memref<1x8192xf32, #tpu.memory_space<hbm>>
        %dma_wait3A_169 = tpu.memref_squeeze %dma_wait3A_168 : memref<1x8192xf32, #tpu.memory_space<hbm>> -> memref<8192xf32, #tpu.memory_space<hbm>>
        %dma_wait3A_170 = arith.constant 0 : i32
        %dma_wait3A_171 = tpu.memref_slice %arg2[%add3A, %dma_wait3A_170] : memref<4x8192xf32, #tpu.memory_space<hbm>> -> memref<1x8192xf32, #tpu.memory_space<hbm>>
        %dma_wait3A_172 = tpu.memref_squeeze %dma_wait3A_171 : memref<1x8192xf32, #tpu.memory_space<hbm>> -> memref<8192xf32, #tpu.memory_space<hbm>>
        tpu.wait_dma2 semaphore(%run_scoped3A : memref<!tpu.dma_semaphore, #tpu.memory_space<semaphore_mem>>) src(%dma_wait3A_172 : memref<8192xf32, #tpu.memory_space<hbm>>) dst(%arg7 : memref<8192xf32, #tpu.memory_space<vmem>>)
        tpu.yield
      }) : () -> ()
      "tpu.region"() ({
        %run_scoped3A = tpu.sem_alloc : memref<!tpu.dma_semaphore, #tpu.memory_space<semaphore_mem>>
        %dma_start3A = arith.constant 0 : i32
        %dma_start3A_163 = tpu.memref_slice %arg3[%add3A, %dma_start3A] : memref<4x8192xi32, #tpu.memory_space<hbm>> -> memref<1x8192xi32, #tpu.memory_space<hbm>>
        %dma_start3A_164 = tpu.memref_squeeze %dma_start3A_163 : memref<1x8192xi32, #tpu.memory_space<hbm>> -> memref<8192xi32, #tpu.memory_space<hbm>>
        %dma_start3A_165 = arith.constant 0 : i32
        %dma_start3A_166 = tpu.memref_slice %arg3[%add3A, %dma_start3A_165] : memref<4x8192xi32, #tpu.memory_space<hbm>> -> memref<1x8192xi32, #tpu.memory_space<hbm>>
        %dma_start3A_167 = tpu.memref_squeeze %dma_start3A_166 : memref<1x8192xi32, #tpu.memory_space<hbm>> -> memref<8192xi32, #tpu.memory_space<hbm>>
        tpu.enqueue_dma source(%dma_start3A_167 : memref<8192xi32, #tpu.memory_space<hbm>>) target(%arg8 : memref<8192xi32, #tpu.memory_space<vmem>>) target_semaphore(%run_scoped3A : memref<!tpu.dma_semaphore, #tpu.memory_space<semaphore_mem>>)
        %dma_wait3A = arith.constant 0 : i32
        %dma_wait3A_168 = tpu.memref_slice %arg3[%add3A, %dma_wait3A] : memref<4x8192xi32, #tpu.memory_space<hbm>> -> memref<1x8192xi32, #tpu.memory_space<hbm>>
        %dma_wait3A_169 = tpu.memref_squeeze %dma_wait3A_168 : memref<1x8192xi32, #tpu.memory_space<hbm>> -> memref<8192xi32, #tpu.memory_space<hbm>>
        %dma_wait3A_170 = arith.constant 0 : i32
        %dma_wait3A_171 = tpu.memref_slice %arg3[%add3A, %dma_wait3A_170] : memref<4x8192xi32, #tpu.memory_space<hbm>> -> memref<1x8192xi32, #tpu.memory_space<hbm>>
        %dma_wait3A_172 = tpu.memref_squeeze %dma_wait3A_171 : memref<1x8192xi32, #tpu.memory_space<hbm>> -> memref<8192xi32, #tpu.memory_space<hbm>>
        tpu.wait_dma2 semaphore(%run_scoped3A : memref<!tpu.dma_semaphore, #tpu.memory_space<semaphore_mem>>) src(%dma_wait3A_172 : memref<8192xi32, #tpu.memory_space<hbm>>) dst(%arg8 : memref<8192xi32, #tpu.memory_space<vmem>>)
        tpu.yield
      }) : () -> ()
      "tpu.region"() ({
        %run_scoped3A = tpu.sem_alloc : memref<!tpu.dma_semaphore, #tpu.memory_space<semaphore_mem>>
        %dma_start3A = arith.constant 0 : i32
        %dma_start3A_163 = tpu.memref_slice %arg4[%add3A, %dma_start3A] : memref<4x128xf32, #tpu.memory_space<hbm>> -> memref<1x128xf32, #tpu.memory_space<hbm>>
        %dma_start3A_164 = tpu.memref_squeeze %dma_start3A_163 : memref<1x128xf32, #tpu.memory_space<hbm>> -> memref<128xf32, #tpu.memory_space<hbm>>
        %dma_start3A_165 = arith.constant 0 : i32
        %dma_start3A_166 = tpu.memref_slice %arg4[%add3A, %dma_start3A_165] : memref<4x128xf32, #tpu.memory_space<hbm>> -> memref<1x128xf32, #tpu.memory_space<hbm>>
        %dma_start3A_167 = tpu.memref_squeeze %dma_start3A_166 : memref<1x128xf32, #tpu.memory_space<hbm>> -> memref<128xf32, #tpu.memory_space<hbm>>
        tpu.enqueue_dma source(%dma_start3A_167 : memref<128xf32, #tpu.memory_space<hbm>>) target(%arg11 : memref<128xf32, #tpu.memory_space<vmem>>) target_semaphore(%run_scoped3A : memref<!tpu.dma_semaphore, #tpu.memory_space<semaphore_mem>>)
        %dma_wait3A = arith.constant 0 : i32
        %dma_wait3A_168 = tpu.memref_slice %arg4[%add3A, %dma_wait3A] : memref<4x128xf32, #tpu.memory_space<hbm>> -> memref<1x128xf32, #tpu.memory_space<hbm>>
        %dma_wait3A_169 = tpu.memref_squeeze %dma_wait3A_168 : memref<1x128xf32, #tpu.memory_space<hbm>> -> memref<128xf32, #tpu.memory_space<hbm>>
        %dma_wait3A_170 = arith.constant 0 : i32
        %dma_wait3A_171 = tpu.memref_slice %arg4[%add3A, %dma_wait3A_170] : memref<4x128xf32, #tpu.memory_space<hbm>> -> memref<1x128xf32, #tpu.memory_space<hbm>>
        %dma_wait3A_172 = tpu.memref_squeeze %dma_wait3A_171 : memref<1x128xf32, #tpu.memory_space<hbm>> -> memref<128xf32, #tpu.memory_space<hbm>>
        tpu.wait_dma2 semaphore(%run_scoped3A : memref<!tpu.dma_semaphore, #tpu.memory_space<semaphore_mem>>) src(%dma_wait3A_172 : memref<128xf32, #tpu.memory_space<hbm>>) dst(%arg11 : memref<128xf32, #tpu.memory_space<vmem>>)
        tpu.yield
      }) : () -> ()
      %get3A = arith.constant 0 : index
      %get3A_4 = tpu.vector_load %arg11[%get3A] {strides = array<i32>} : memref<128xf32, #tpu.memory_space<vmem>>, vector<16xf32>,
      %get3A_5 = arith.constant 16 : index
      %get3A_6 = tpu.vector_load %arg11[%get3A_5] {strides = array<i32>} : memref<128xf32, #tpu.memory_space<vmem>>, vector<16xf32>,
      %max3A = arith.maximumf %get3A_4, %get3A_6 : vector<16xf32>
      %get3A_7 = arith.constant 32 : index
      %get3A_8 = tpu.vector_load %arg11[%get3A_7] {strides = array<i32>} : memref<128xf32, #tpu.memory_space<vmem>>, vector<16xf32>,
      %max3A_9 = arith.maximumf %max3A, %get3A_8 : vector<16xf32>
      %get3A_10 = arith.constant 48 : index
      %get3A_11 = tpu.vector_load %arg11[%get3A_10] {strides = array<i32>} : memref<128xf32, #tpu.memory_space<vmem>>, vector<16xf32>,
      %max3A_12 = arith.maximumf %max3A_9, %get3A_11 : vector<16xf32>
      %get3A_13 = arith.constant 64 : index
      %get3A_14 = tpu.vector_load %arg11[%get3A_13] {strides = array<i32>} : memref<128xf32, #tpu.memory_space<vmem>>, vector<16xf32>,
      %max3A_15 = arith.maximumf %max3A_12, %get3A_14 : vector<16xf32>
      %get3A_16 = arith.constant 80 : index
      %get3A_17 = tpu.vector_load %arg11[%get3A_16] {strides = array<i32>} : memref<128xf32, #tpu.memory_space<vmem>>, vector<16xf32>,
      %max3A_18 = arith.maximumf %max3A_15, %get3A_17 : vector<16xf32>
      %get3A_19 = arith.constant 96 : index
      %get3A_20 = tpu.vector_load %arg11[%get3A_19] {strides = array<i32>} : memref<128xf32, #tpu.memory_space<vmem>>, vector<16xf32>,
      %max3A_21 = arith.maximumf %max3A_18, %get3A_20 : vector<16xf32>
      %get3A_22 = arith.constant 112 : index
      %get3A_23 = tpu.vector_load %arg11[%get3A_22] {strides = array<i32>} : memref<128xf32, #tpu.memory_space<vmem>>, vector<16xf32>,
      %max3A_24 = arith.maximumf %max3A_21, %get3A_23 : vector<16xf32>
      %broadcast_in_dim3A = arith.constant 1 : i32
      %broadcast_in_dim3A_25 = vector.broadcast %broadcast_in_dim3A : i32 to vector<16xi32>
      %broadcast_in_dim3A_26 = arith.constant 0 : i32
      %broadcast_in_dim3A_27 = vector.broadcast %broadcast_in_dim3A_26 : i32 to vector<16xi32>
      %swap3A = arith.constant 0 : index
      %swap3A_28 = tpu.vector_load %arg10[%swap3A] {strides = array<i32>} : memref<384xi32, #tpu.memory_space<vmem>>, vector<16xi32>,
      tpu.vector_store %arg10[%swap3A], %broadcast_in_dim3A_27 {strides = array<i32>} : memref<384xi32, #tpu.memory_space<vmem>>, vector<16xi32>,
      %swap3A_29 = arith.constant 16 : index
      %swap3A_30 = tpu.vector_load %arg10[%swap3A_29] {strides = array<i32>} : memref<384xi32, #tpu.memory_space<vmem>>, vector<16xi32>,
      tpu.vector_store %arg10[%swap3A_29], %broadcast_in_dim3A_27 {strides = array<i32>} : memref<384xi32, #tpu.memory_space<vmem>>, vector<16xi32>,
      %swap3A_31 = arith.constant 32 : index
      %swap3A_32 = tpu.vector_load %arg10[%swap3A_31] {strides = array<i32>} : memref<384xi32, #tpu.memory_space<vmem>>, vector<16xi32>,
      tpu.vector_store %arg10[%swap3A_31], %broadcast_in_dim3A_27 {strides = array<i32>} : memref<384xi32, #tpu.memory_space<vmem>>, vector<16xi32>,
      %swap3A_33 = arith.constant 48 : index
      %swap3A_34 = tpu.vector_load %arg10[%swap3A_33] {strides = array<i32>} : memref<384xi32, #tpu.memory_space<vmem>>, vector<16xi32>,
      tpu.vector_store %arg10[%swap3A_33], %broadcast_in_dim3A_27 {strides = array<i32>} : memref<384xi32, #tpu.memory_space<vmem>>, vector<16xi32>,
      %swap3A_35 = arith.constant 64 : index
      %swap3A_36 = tpu.vector_load %arg10[%swap3A_35] {strides = array<i32>} : memref<384xi32, #tpu.memory_space<vmem>>, vector<16xi32>,
      tpu.vector_store %arg10[%swap3A_35], %broadcast_in_dim3A_27 {strides = array<i32>} : memref<384xi32, #tpu.memory_space<vmem>>, vector<16xi32>,
      %swap3A_37 = arith.constant 80 : index
      %swap3A_38 = tpu.vector_load %arg10[%swap3A_37] {strides = array<i32>} : memref<384xi32, #tpu.memory_space<vmem>>, vector<16xi32>,
      tpu.vector_store %arg10[%swap3A_37], %broadcast_in_dim3A_27 {strides = array<i32>} : memref<384xi32, #tpu.memory_space<vmem>>, vector<16xi32>,
      %swap3A_39 = arith.constant 96 : index
      %swap3A_40 = tpu.vector_load %arg10[%swap3A_39] {strides = array<i32>} : memref<384xi32, #tpu.memory_space<vmem>>, vector<16xi32>,
      tpu.vector_store %arg10[%swap3A_39], %broadcast_in_dim3A_27 {strides = array<i32>} : memref<384xi32, #tpu.memory_space<vmem>>, vector<16xi32>,
      %swap3A_41 = arith.constant 112 : index
      %swap3A_42 = tpu.vector_load %arg10[%swap3A_41] {strides = array<i32>} : memref<384xi32, #tpu.memory_space<vmem>>, vector<16xi32>,
      tpu.vector_store %arg10[%swap3A_41], %broadcast_in_dim3A_27 {strides = array<i32>} : memref<384xi32, #tpu.memory_space<vmem>>, vector<16xi32>,
      %swap3A_43 = arith.constant 128 : index
      %swap3A_44 = tpu.vector_load %arg10[%swap3A_43] {strides = array<i32>} : memref<384xi32, #tpu.memory_space<vmem>>, vector<16xi32>,
      tpu.vector_store %arg10[%swap3A_43], %broadcast_in_dim3A_27 {strides = array<i32>} : memref<384xi32, #tpu.memory_space<vmem>>, vector<16xi32>,
      %swap3A_45 = arith.constant 144 : index
      %swap3A_46 = tpu.vector_load %arg10[%swap3A_45] {strides = array<i32>} : memref<384xi32, #tpu.memory_space<vmem>>, vector<16xi32>,
      tpu.vector_store %arg10[%swap3A_45], %broadcast_in_dim3A_27 {strides = array<i32>} : memref<384xi32, #tpu.memory_space<vmem>>, vector<16xi32>,
      %swap3A_47 = arith.constant 160 : index
      %swap3A_48 = tpu.vector_load %arg10[%swap3A_47] {strides = array<i32>} : memref<384xi32, #tpu.memory_space<vmem>>, vector<16xi32>,
      tpu.vector_store %arg10[%swap3A_47], %broadcast_in_dim3A_27 {strides = array<i32>} : memref<384xi32, #tpu.memory_space<vmem>>, vector<16xi32>,
      %swap3A_49 = arith.constant 176 : index
      %swap3A_50 = tpu.vector_load %arg10[%swap3A_49] {strides = array<i32>} : memref<384xi32, #tpu.memory_space<vmem>>, vector<16xi32>,
      tpu.vector_store %arg10[%swap3A_49], %broadcast_in_dim3A_27 {strides = array<i32>} : memref<384xi32, #tpu.memory_space<vmem>>, vector<16xi32>,
      %swap3A_51 = arith.constant 192 : index
      %swap3A_52 = tpu.vector_load %arg10[%swap3A_51] {strides = array<i32>} : memref<384xi32, #tpu.memory_space<vmem>>, vector<16xi32>,
      tpu.vector_store %arg10[%swap3A_51], %broadcast_in_dim3A_27 {strides = array<i32>} : memref<384xi32, #tpu.memory_space<vmem>>, vector<16xi32>,
      %swap3A_53 = arith.constant 208 : index
      %swap3A_54 = tpu.vector_load %arg10[%swap3A_53] {strides = array<i32>} : memref<384xi32, #tpu.memory_space<vmem>>, vector<16xi32>,
      tpu.vector_store %arg10[%swap3A_53], %broadcast_in_dim3A_27 {strides = array<i32>} : memref<384xi32, #tpu.memory_space<vmem>>, vector<16xi32>,
      %swap3A_55 = arith.constant 224 : index
      %swap3A_56 = tpu.vector_load %arg10[%swap3A_55] {strides = array<i32>} : memref<384xi32, #tpu.memory_space<vmem>>, vector<16xi32>,
      tpu.vector_store %arg10[%swap3A_55], %broadcast_in_dim3A_27 {strides = array<i32>} : memref<384xi32, #tpu.memory_space<vmem>>, vector<16xi32>,
      %swap3A_57 = arith.constant 240 : index
      %swap3A_58 = tpu.vector_load %arg10[%swap3A_57] {strides = array<i32>} : memref<384xi32, #tpu.memory_space<vmem>>, vector<16xi32>,
      tpu.vector_store %arg10[%swap3A_57], %broadcast_in_dim3A_27 {strides = array<i32>} : memref<384xi32, #tpu.memory_space<vmem>>, vector<16xi32>,
      %swap3A_59 = arith.constant 256 : index
      %swap3A_60 = tpu.vector_load %arg10[%swap3A_59] {strides = array<i32>} : memref<384xi32, #tpu.memory_space<vmem>>, vector<16xi32>,
      tpu.vector_store %arg10[%swap3A_59], %broadcast_in_dim3A_27 {strides = array<i32>} : memref<384xi32, #tpu.memory_space<vmem>>, vector<16xi32>,
      %swap3A_61 = arith.constant 272 : index
      %swap3A_62 = tpu.vector_load %arg10[%swap3A_61] {strides = array<i32>} : memref<384xi32, #tpu.memory_space<vmem>>, vector<16xi32>,
      tpu.vector_store %arg10[%swap3A_61], %broadcast_in_dim3A_27 {strides = array<i32>} : memref<384xi32, #tpu.memory_space<vmem>>, vector<16xi32>,
      %swap3A_63 = arith.constant 288 : index
      %swap3A_64 = tpu.vector_load %arg10[%swap3A_63] {strides = array<i32>} : memref<384xi32, #tpu.memory_space<vmem>>, vector<16xi32>,
      tpu.vector_store %arg10[%swap3A_63], %broadcast_in_dim3A_27 {strides = array<i32>} : memref<384xi32, #tpu.memory_space<vmem>>, vector<16xi32>,
      %swap3A_65 = arith.constant 304 : index
      %swap3A_66 = tpu.vector_load %arg10[%swap3A_65] {strides = array<i32>} : memref<384xi32, #tpu.memory_space<vmem>>, vector<16xi32>,
      tpu.vector_store %arg10[%swap3A_65], %broadcast_in_dim3A_27 {strides = array<i32>} : memref<384xi32, #tpu.memory_space<vmem>>, vector<16xi32>,
      %swap3A_67 = arith.constant 320 : index
      %swap3A_68 = tpu.vector_load %arg10[%swap3A_67] {strides = array<i32>} : memref<384xi32, #tpu.memory_space<vmem>>, vector<16xi32>,
      tpu.vector_store %arg10[%swap3A_67], %broadcast_in_dim3A_27 {strides = array<i32>} : memref<384xi32, #tpu.memory_space<vmem>>, vector<16xi32>,
      %swap3A_69 = arith.constant 336 : index
      %swap3A_70 = tpu.vector_load %arg10[%swap3A_69] {strides = array<i32>} : memref<384xi32, #tpu.memory_space<vmem>>, vector<16xi32>,
      tpu.vector_store %arg10[%swap3A_69], %broadcast_in_dim3A_27 {strides = array<i32>} : memref<384xi32, #tpu.memory_space<vmem>>, vector<16xi32>,
      %swap3A_71 = arith.constant 352 : index
      %swap3A_72 = tpu.vector_load %arg10[%swap3A_71] {strides = array<i32>} : memref<384xi32, #tpu.memory_space<vmem>>, vector<16xi32>,
      tpu.vector_store %arg10[%swap3A_71], %broadcast_in_dim3A_27 {strides = array<i32>} : memref<384xi32, #tpu.memory_space<vmem>>, vector<16xi32>,
      %swap3A_73 = arith.constant 368 : index
      %swap3A_74 = tpu.vector_load %arg10[%swap3A_73] {strides = array<i32>} : memref<384xi32, #tpu.memory_space<vmem>>, vector<16xi32>,
      tpu.vector_store %arg10[%swap3A_73], %broadcast_in_dim3A_27 {strides = array<i32>} : memref<384xi32, #tpu.memory_space<vmem>>, vector<16xi32>,
      %scan3A = arith.constant 0 : i32
      %scan3A_75 = arith.constant 0 : i32
      %scan3A_76 = arith.constant 64 : i32
      %scan3A_77 = arith.addi %scan3A_75, %scan3A_76 : i32
      %scan3A_78 = arith.constant 1 : i32
      %scan3A_79 = scf.for %scan3A_163 = %scan3A_75 to %scan3A_77 step %scan3A_78 iter_args(%scan3A_164 = %scan3A) -> (i32)  : i32 {
        %mul3A_165 = arith.constant 8 : i32
        %mul3A_166 = arith.muli %scan3A_163, %mul3A_165 : i32
        %add3A_167 = arith.constant 0 : i32
        %add3A_168 = arith.addi %mul3A_166, %add3A_167 : i32
        %mul3A_169 = arith.constant 16 : i32
        %mul3A_170 = arith.muli %add3A_168, %mul3A_169 : i32
        %get3A_171 = arith.index_cast %mul3A_170 : i32 to index
        %get3A_172 = tpu.vector_load %arg8[%get3A_171] {strides = array<i32>} : memref<8192xi32, #tpu.memory_space<vmem>>, vector<16xi32>,
        %shift_right_logical3A = arith.constant 24 : i32
        %shift_right_logical3A_173 = vector.broadcast %shift_right_logical3A : i32 to vector<16xi32>
        %shift_right_logical3A_174 = arith.shrui %get3A_172, %shift_right_logical3A_173 : vector<16xi32>
        %and3A = arith.constant 255 : i32
        %and3A_175 = vector.broadcast %and3A : i32 to vector<16xi32>
        %and3A_176 = arith.andi %shift_right_logical3A_174, %and3A_175 : vector<16xi32>
        tpu.vector_store_idx %arg10[%and3A_176], %broadcast_in_dim3A_25 {add = true} : memref<384xi32, #tpu.memory_space<vmem>>[vector<16xi32>], vector<16xi32>,
        %mul3A_177 = arith.constant 8 : i32
        %mul3A_178 = arith.muli %scan3A_163, %mul3A_177 : i32
        %add3A_179 = arith.constant 1 : i32
        %add3A_180 = arith.addi %mul3A_178, %add3A_179 : i32
        %mul3A_181 = arith.constant 16 : i32
        %mul3A_182 = arith.muli %add3A_180, %mul3A_181 : i32
        %get3A_183 = arith.index_cast %mul3A_182 : i32 to index
        %get3A_184 = tpu.vector_load %arg8[%get3A_183] {strides = array<i32>} : memref<8192xi32, #tpu.memory_space<vmem>>, vector<16xi32>,
        %shift_right_logical3A_185 = arith.constant 24 : i32
        %shift_right_logical3A_186 = vector.broadcast %shift_right_logical3A_185 : i32 to vector<16xi32>
        %shift_right_logical3A_187 = arith.shrui %get3A_184, %shift_right_logical3A_186 : vector<16xi32>
        %and3A_188 = arith.constant 255 : i32
        %and3A_189 = vector.broadcast %and3A_188 : i32 to vector<16xi32>
        %and3A_190 = arith.andi %shift_right_logical3A_187, %and3A_189 : vector<16xi32>
        tpu.vector_store_idx %arg10[%and3A_190], %broadcast_in_dim3A_25 {add = true} : memref<384xi32, #tpu.memory_space<vmem>>[vector<16xi32>], vector<16xi32>,
        %mul3A_191 = arith.constant 8 : i32
        %mul3A_192 = arith.muli %scan3A_163, %mul3A_191 : i32
        %add3A_193 = arith.constant 2 : i32
        %add3A_194 = arith.addi %mul3A_192, %add3A_193 : i32
        %mul3A_195 = arith.constant 16 : i32
        %mul3A_196 = arith.muli %add3A_194, %mul3A_195 : i32
        %get3A_197 = arith.index_cast %mul3A_196 : i32 to index
        %get3A_198 = tpu.vector_load %arg8[%get3A_197] {strides = array<i32>} : memref<8192xi32, #tpu.memory_space<vmem>>, vector<16xi32>,
        %shift_right_logical3A_199 = arith.constant 24 : i32
        %shift_right_logical3A_200 = vector.broadcast %shift_right_logical3A_199 : i32 to vector<16xi32>
        %shift_right_logical3A_201 = arith.shrui %get3A_198, %shift_right_logical3A_200 : vector<16xi32>
        %and3A_202 = arith.constant 255 : i32
        %and3A_203 = vector.broadcast %and3A_202 : i32 to vector<16xi32>
        %and3A_204 = arith.andi %shift_right_logical3A_201, %and3A_203 : vector<16xi32>
        tpu.vector_store_idx %arg10[%and3A_204], %broadcast_in_dim3A_25 {add = true} : memref<384xi32, #tpu.memory_space<vmem>>[vector<16xi32>], vector<16xi32>,
        %mul3A_205 = arith.constant 8 : i32
        %mul3A_206 = arith.muli %scan3A_163, %mul3A_205 : i32
        %add3A_207 = arith.constant 3 : i32
        %add3A_208 = arith.addi %mul3A_206, %add3A_207 : i32
        %mul3A_209 = arith.constant 16 : i32
        %mul3A_210 = arith.muli %add3A_208, %mul3A_209 : i32
        %get3A_211 = arith.index_cast %mul3A_210 : i32 to index
        %get3A_212 = tpu.vector_load %arg8[%get3A_211] {strides = array<i32>} : memref<8192xi32, #tpu.memory_space<vmem>>, vector<16xi32>,
        %shift_right_logical3A_213 = arith.constant 24 : i32
        %shift_right_logical3A_214 = vector.broadcast %shift_right_logical3A_213 : i32 to vector<16xi32>
        %shift_right_logical3A_215 = arith.shrui %get3A_212, %shift_right_logical3A_214 : vector<16xi32>
        %and3A_216 = arith.constant 255 : i32
        %and3A_217 = vector.broadcast %and3A_216 : i32 to vector<16xi32>
        %and3A_218 = arith.andi %shift_right_logical3A_215, %and3A_217 : vector<16xi32>
        tpu.vector_store_idx %arg10[%and3A_218], %broadcast_in_dim3A_25 {add = true} : memref<384xi32, #tpu.memory_space<vmem>>[vector<16xi32>], vector<16xi32>,
        %mul3A_219 = arith.constant 8 : i32
        %mul3A_220 = arith.muli %scan3A_163, %mul3A_219 : i32
        %add3A_221 = arith.constant 4 : i32
        %add3A_222 = arith.addi %mul3A_220, %add3A_221 : i32
        %mul3A_223 = arith.constant 16 : i32
        %mul3A_224 = arith.muli %add3A_222, %mul3A_223 : i32
        %get3A_225 = arith.index_cast %mul3A_224 : i32 to index
        %get3A_226 = tpu.vector_load %arg8[%get3A_225] {strides = array<i32>} : memref<8192xi32, #tpu.memory_space<vmem>>, vector<16xi32>,
        %shift_right_logical3A_227 = arith.constant 24 : i32
        %shift_right_logical3A_228 = vector.broadcast %shift_right_logical3A_227 : i32 to vector<16xi32>
        %shift_right_logical3A_229 = arith.shrui %get3A_226, %shift_right_logical3A_228 : vector<16xi32>
        %and3A_230 = arith.constant 255 : i32
        %and3A_231 = vector.broadcast %and3A_230 : i32 to vector<16xi32>
        %and3A_232 = arith.andi %shift_right_logical3A_229, %and3A_231 : vector<16xi32>
        tpu.vector_store_idx %arg10[%and3A_232], %broadcast_in_dim3A_25 {add = true} : memref<384xi32, #tpu.memory_space<vmem>>[vector<16xi32>], vector<16xi32>,
        %mul3A_233 = arith.constant 8 : i32
        %mul3A_234 = arith.muli %scan3A_163, %mul3A_233 : i32
        %add3A_235 = arith.constant 5 : i32
        %add3A_236 = arith.addi %mul3A_234, %add3A_235 : i32
        %mul3A_237 = arith.constant 16 : i32
        %mul3A_238 = arith.muli %add3A_236, %mul3A_237 : i32
        %get3A_239 = arith.index_cast %mul3A_238 : i32 to index
        %get3A_240 = tpu.vector_load %arg8[%get3A_239] {strides = array<i32>} : memref<8192xi32, #tpu.memory_space<vmem>>, vector<16xi32>,
        %shift_right_logical3A_241 = arith.constant 24 : i32
        %shift_right_logical3A_242 = vector.broadcast %shift_right_logical3A_241 : i32 to vector<16xi32>
        %shift_right_logical3A_243 = arith.shrui %get3A_240, %shift_right_logical3A_242 : vector<16xi32>
        %and3A_244 = arith.constant 255 : i32
        %and3A_245 = vector.broadcast %and3A_244 : i32 to vector<16xi32>
        %and3A_246 = arith.andi %shift_right_logical3A_243, %and3A_245 : vector<16xi32>
        tpu.vector_store_idx %arg10[%and3A_246], %broadcast_in_dim3A_25 {add = true} : memref<384xi32, #tpu.memory_space<vmem>>[vector<16xi32>], vector<16xi32>,
        %mul3A_247 = arith.constant 8 : i32
        %mul3A_248 = arith.muli %scan3A_163, %mul3A_247 : i32
        %add3A_249 = arith.constant 6 : i32
        %add3A_250 = arith.addi %mul3A_248, %add3A_249 : i32
        %mul3A_251 = arith.constant 16 : i32
        %mul3A_252 = arith.muli %add3A_250, %mul3A_251 : i32
        %get3A_253 = arith.index_cast %mul3A_252 : i32 to index
        %get3A_254 = tpu.vector_load %arg8[%get3A_253] {strides = array<i32>} : memref<8192xi32, #tpu.memory_space<vmem>>, vector<16xi32>,
        %shift_right_logical3A_255 = arith.constant 24 : i32
        %shift_right_logical3A_256 = vector.broadcast %shift_right_logical3A_255 : i32 to vector<16xi32>
        %shift_right_logical3A_257 = arith.shrui %get3A_254, %shift_right_logical3A_256 : vector<16xi32>
        %and3A_258 = arith.constant 255 : i32
        %and3A_259 = vector.broadcast %and3A_258 : i32 to vector<16xi32>
        %and3A_260 = arith.andi %shift_right_logical3A_257, %and3A_259 : vector<16xi32>
        tpu.vector_store_idx %arg10[%and3A_260], %broadcast_in_dim3A_25 {add = true} : memref<384xi32, #tpu.memory_space<vmem>>[vector<16xi32>], vector<16xi32>,
        %mul3A_261 = arith.constant 8 : i32
        %mul3A_262 = arith.muli %scan3A_163, %mul3A_261 : i32
        %add3A_263 = arith.constant 7 : i32
        %add3A_264 = arith.addi %mul3A_262, %add3A_263 : i32
        %mul3A_265 = arith.constant 16 : i32
        %mul3A_266 = arith.muli %add3A_264, %mul3A_265 : i32
        %get3A_267 = arith.index_cast %mul3A_266 : i32 to index
        %get3A_268 = tpu.vector_load %arg8[%get3A_267] {strides = array<i32>} : memref<8192xi32, #tpu.memory_space<vmem>>, vector<16xi32>,
        %shift_right_logical3A_269 = arith.constant 24 : i32
        %shift_right_logical3A_270 = vector.broadcast %shift_right_logical3A_269 : i32 to vector<16xi32>
        %shift_right_logical3A_271 = arith.shrui %get3A_268, %shift_right_logical3A_270 : vector<16xi32>
        %and3A_272 = arith.constant 255 : i32
        %and3A_273 = vector.broadcast %and3A_272 : i32 to vector<16xi32>
        %and3A_274 = arith.andi %shift_right_logical3A_271, %and3A_273 : vector<16xi32>
        tpu.vector_store_idx %arg10[%and3A_274], %broadcast_in_dim3A_25 {add = true} : memref<384xi32, #tpu.memory_space<vmem>>[vector<16xi32>], vector<16xi32>,
        %scan3A_275 = arith.constant 0 : i32
        scf.yield %scan3A_275 : i32
      }
      %scan3A_80 = arith.constant 64 : i32
      %while3A = arith.constant false
      %while3A_81 = arith.constant 255 : i32
      %while3A_82 = arith.constant 0 : i32
      %while3A_83 = arith.constant 0 : i32
      %while3A_84 = arith.constant 4096 : i32
      %while3A_85:5 = scf.while (%while3A_163 = %while3A, %while3A_164 = %while3A_81, %while3A_165 = %while3A_82, %while3A_166 = %while3A_83, %while3A_167 = %while3A_84) : (i1, i32, i32, i32, i32) -> (i1, i32, i32, i32, i32) {
        %not3A = arith.constant true
        %not3A_168 = arith.xori %while3A_163, %not3A : i1
        scf.condition(%not3A_168) %while3A_163, %while3A_164, %while3A_165, %while3A_166, %while3A_167 : i1, i32, i32, i32, i32
      } do {
      ^bb0(%while3A_163: i1, %while3A_164: i32, %while3A_165: i32, %while3A_166: i32, %while3A_167: i32):
        %get3A_168 = arith.index_cast %while3A_164 : i32 to index
        %get3A_169 = tpu.vector_load %arg10[%get3A_168] {strides = array<i32>} : memref<384xi32, #tpu.memory_space<vmem>>, vector<16xi32>,
        %slice3A = vector.extract_strided_slice %get3A_169 {offsets = [0], sizes = [1], strides = [1]} : vector<16xi32> to vector<1xi32>
        %squeeze3A = vector.extract %slice3A[0] : i32 from vector<1xi32>
        %add3A_170 = arith.addi %while3A_165, %squeeze3A : i32
        %ge3A = arith.cmpi sge, %add3A_170, %while3A_167 : i32
        %sub3A = arith.constant 1 : i32
        %sub3A_171 = arith.subi %while3A_164, %sub3A : i32
        %add3A_172 = arith.addi %while3A_165, %squeeze3A : i32
        %select_n3A = arith.select %ge3A, %while3A_165, %add3A_172 : i32
        %select_n3A_173 = arith.select %ge3A, %while3A_164, %while3A_166 : i32
        %sub3A_174 = arith.subi %while3A_167, %while3A_165 : i32
        %select_n3A_175 = arith.select %ge3A, %sub3A_174, %while3A_167 : i32
        scf.yield %ge3A, %sub3A_171, %select_n3A, %select_n3A_173, %select_n3A_175 : i1, i32, i32, i32, i32
      }
      %shift_left3A = arith.constant 0 : i32
      %shift_left3A_86 = arith.constant 8 : i32
      %shift_left3A_87 = arith.shli %shift_left3A, %shift_left3A_86 : i32
      %or3A = arith.ori %shift_left3A_87, %while3A_85#3 : i32
      %swap3A_88 = arith.constant 0 : index
      %swap3A_89 = tpu.vector_load %arg10[%swap3A_88] {strides = array<i32>} : memref<384xi32, #tpu.memory_space<vmem>>, vector<16xi32>,
      tpu.vector_store %arg10[%swap3A_88], %broadcast_in_dim3A_27 {strides = array<i32>} : memref<384xi32, #tpu.memory_space<vmem>>, vector<16xi32>,
      %swap3A_90 = arith.constant 16 : index
      %swap3A_91 = tpu.vector_load %arg10[%swap3A_90] {strides = array<i32>} : memref<384xi32, #tpu.memory_space<vmem>>, vector<16xi32>,
      tpu.vector_store %arg10[%swap3A_90], %broadcast_in_dim3A_27 {strides = array<i32>} : memref<384xi32, #tpu.memory_space<vmem>>, vector<16xi32>,
      %swap3A_92 = arith.constant 32 : index
      %swap3A_93 = tpu.vector_load %arg10[%swap3A_92] {strides = array<i32>} : memref<384xi32, #tpu.memory_space<vmem>>, vector<16xi32>,
      tpu.vector_store %arg10[%swap3A_92], %broadcast_in_dim3A_27 {strides = array<i32>} : memref<384xi32, #tpu.memory_space<vmem>>, vector<16xi32>,
      %swap3A_94 = arith.constant 48 : index
      %swap3A_95 = tpu.vector_load %arg10[%swap3A_94] {strides = array<i32>} : memref<384xi32, #tpu.memory_space<vmem>>, vector<16xi32>,
      tpu.vector_store %arg10[%swap3A_94], %broadcast_in_dim3A_27 {strides = array<i32>} : memref<384xi32, #tpu.memory_space<vmem>>, vector<16xi32>,
      %swap3A_96 = arith.constant 64 : index
      %swap3A_97 = tpu.vector_load %arg10[%swap3A_96] {strides = array<i32>} : memref<384xi32, #tpu.memory_space<vmem>>, vector<16xi32>,
      tpu.vector_store %arg10[%swap3A_96], %broadcast_in_dim3A_27 {strides = array<i32>} : memref<384xi32, #tpu.memory_space<vmem>>, vector<16xi32>,
      %swap3A_98 = arith.constant 80 : index
      %swap3A_99 = tpu.vector_load %arg10[%swap3A_98] {strides = array<i32>} : memref<384xi32, #tpu.memory_space<vmem>>, vector<16xi32>,
      tpu.vector_store %arg10[%swap3A_98], %broadcast_in_dim3A_27 {strides = array<i32>} : memref<384xi32, #tpu.memory_space<vmem>>, vector<16xi32>,
      %swap3A_100 = arith.constant 96 : index
      %swap3A_101 = tpu.vector_load %arg10[%swap3A_100] {strides = array<i32>} : memref<384xi32, #tpu.memory_space<vmem>>, vector<16xi32>,
      tpu.vector_store %arg10[%swap3A_100], %broadcast_in_dim3A_27 {strides = array<i32>} : memref<384xi32, #tpu.memory_space<vmem>>, vector<16xi32>,
      %swap3A_102 = arith.constant 112 : index
      %swap3A_103 = tpu.vector_load %arg10[%swap3A_102] {strides = array<i32>} : memref<384xi32, #tpu.memory_space<vmem>>, vector<16xi32>,
      tpu.vector_store %arg10[%swap3A_102], %broadcast_in_dim3A_27 {strides = array<i32>} : memref<384xi32, #tpu.memory_space<vmem>>, vector<16xi32>,
      %swap3A_104 = arith.constant 128 : index
      %swap3A_105 = tpu.vector_load %arg10[%swap3A_104] {strides = array<i32>} : memref<384xi32, #tpu.memory_space<vmem>>, vector<16xi32>,
      tpu.vector_store %arg10[%swap3A_104], %broadcast_in_dim3A_27 {strides = array<i32>} : memref<384xi32, #tpu.memory_space<vmem>>, vector<16xi32>,
      %swap3A_106 = arith.constant 144 : index
      %swap3A_107 = tpu.vector_load %arg10[%swap3A_106] {strides = array<i32>} : memref<384xi32, #tpu.memory_space<vmem>>, vector<16xi32>,
      tpu.vector_store %arg10[%swap3A_106], %broadcast_in_dim3A_27 {strides = array<i32>} : memref<384xi32, #tpu.memory_space<vmem>>, vector<16xi32>,
      %swap3A_108 = arith.constant 160 : index
      %swap3A_109 = tpu.vector_load %arg10[%swap3A_108] {strides = array<i32>} : memref<384xi32, #tpu.memory_space<vmem>>, vector<16xi32>,
      tpu.vector_store %arg10[%swap3A_108], %broadcast_in_dim3A_27 {strides = array<i32>} : memref<384xi32, #tpu.memory_space<vmem>>, vector<16xi32>,
      %swap3A_110 = arith.constant 176 : index
      %swap3A_111 = tpu.vector_load %arg10[%swap3A_110] {strides = array<i32>} : memref<384xi32, #tpu.memory_space<vmem>>, vector<16xi32>,
      tpu.vector_store %arg10[%swap3A_110], %broadcast_in_dim3A_27 {strides = array<i32>} : memref<384xi32, #tpu.memory_space<vmem>>, vector<16xi32>,
      %swap3A_112 = arith.constant 192 : index
      %swap3A_113 = tpu.vector_load %arg10[%swap3A_112] {strides = array<i32>} : memref<384xi32, #tpu.memory_space<vmem>>, vector<16xi32>,
      tpu.vector_store %arg10[%swap3A_112], %broadcast_in_dim3A_27 {strides = array<i32>} : memref<384xi32, #tpu.memory_space<vmem>>, vector<16xi32>,
      %swap3A_114 = arith.constant 208 : index
      %swap3A_115 = tpu.vector_load %arg10[%swap3A_114] {strides = array<i32>} : memref<384xi32, #tpu.memory_space<vmem>>, vector<16xi32>,
      tpu.vector_store %arg10[%swap3A_114], %broadcast_in_dim3A_27 {strides = array<i32>} : memref<384xi32, #tpu.memory_space<vmem>>, vector<16xi32>,
      %swap3A_116 = arith.constant 224 : index
      %swap3A_117 = tpu.vector_load %arg10[%swap3A_116] {strides = array<i32>} : memref<384xi32, #tpu.memory_space<vmem>>, vector<16xi32>,
      tpu.vector_store %arg10[%swap3A_116], %broadcast_in_dim3A_27 {strides = array<i32>} : memref<384xi32, #tpu.memory_space<vmem>>, vector<16xi32>,
      %swap3A_118 = arith.constant 240 : index
      %swap3A_119 = tpu.vector_load %arg10[%swap3A_118] {strides = array<i32>} : memref<384xi32, #tpu.memory_space<vmem>>, vector<16xi32>,
      tpu.vector_store %arg10[%swap3A_118], %broadcast_in_dim3A_27 {strides = array<i32>} : memref<384xi32, #tpu.memory_space<vmem>>, vector<16xi32>,
      %swap3A_120 = arith.constant 256 : index
      %swap3A_121 = tpu.vector_load %arg10[%swap3A_120] {strides = array<i32>} : memref<384xi32, #tpu.memory_space<vmem>>, vector<16xi32>,
      tpu.vector_store %arg10[%swap3A_120], %broadcast_in_dim3A_27 {strides = array<i32>} : memref<384xi32, #tpu.memory_space<vmem>>, vector<16xi32>,
      %swap3A_122 = arith.constant 272 : index
      %swap3A_123 = tpu.vector_load %arg10[%swap3A_122] {strides = array<i32>} : memref<384xi32, #tpu.memory_space<vmem>>, vector<16xi32>,
      tpu.vector_store %arg10[%swap3A_122], %broadcast_in_dim3A_27 {strides = array<i32>} : memref<384xi32, #tpu.memory_space<vmem>>, vector<16xi32>,
      %swap3A_124 = arith.constant 288 : index
      %swap3A_125 = tpu.vector_load %arg10[%swap3A_124] {strides = array<i32>} : memref<384xi32, #tpu.memory_space<vmem>>, vector<16xi32>,
      tpu.vector_store %arg10[%swap3A_124], %broadcast_in_dim3A_27 {strides = array<i32>} : memref<384xi32, #tpu.memory_space<vmem>>, vector<16xi32>,
      %swap3A_126 = arith.constant 304 : index
      %swap3A_127 = tpu.vector_load %arg10[%swap3A_126] {strides = array<i32>} : memref<384xi32, #tpu.memory_space<vmem>>, vector<16xi32>,
      tpu.vector_store %arg10[%swap3A_126], %broadcast_in_dim3A_27 {strides = array<i32>} : memref<384xi32, #tpu.memory_space<vmem>>, vector<16xi32>,
      %swap3A_128 = arith.constant 320 : index
      %swap3A_129 = tpu.vector_load %arg10[%swap3A_128] {strides = array<i32>} : memref<384xi32, #tpu.memory_space<vmem>>, vector<16xi32>,
      tpu.vector_store %arg10[%swap3A_128], %broadcast_in_dim3A_27 {strides = array<i32>} : memref<384xi32, #tpu.memory_space<vmem>>, vector<16xi32>,
      %swap3A_130 = arith.constant 336 : index
      %swap3A_131 = tpu.vector_load %arg10[%swap3A_130] {strides = array<i32>} : memref<384xi32, #tpu.memory_space<vmem>>, vector<16xi32>,
      tpu.vector_store %arg10[%swap3A_130], %broadcast_in_dim3A_27 {strides = array<i32>} : memref<384xi32, #tpu.memory_space<vmem>>, vector<16xi32>,
      %swap3A_132 = arith.constant 352 : index
      %swap3A_133 = tpu.vector_load %arg10[%swap3A_132] {strides = array<i32>} : memref<384xi32, #tpu.memory_space<vmem>>, vector<16xi32>,
      tpu.vector_store %arg10[%swap3A_132], %broadcast_in_dim3A_27 {strides = array<i32>} : memref<384xi32, #tpu.memory_space<vmem>>, vector<16xi32>,
      %swap3A_134 = arith.constant 368 : index
      %swap3A_135 = tpu.vector_load %arg10[%swap3A_134] {strides = array<i32>} : memref<384xi32, #tpu.memory_space<vmem>>, vector<16xi32>,
      tpu.vector_store %arg10[%swap3A_134], %broadcast_in_dim3A_27 {strides = array<i32>} : memref<384xi32, #tpu.memory_space<vmem>>, vector<16xi32>,
      %scan3A_136 = arith.constant 0 : i32
      %scan3A_137 = arith.constant 0 : i32
      %scan3A_138 = arith.constant 64 : i32
      %scan3A_139 = arith.addi %scan3A_137, %scan3A_138 : i32
      %scan3A_140 = arith.constant 1 : i32
      %scan3A_141 = scf.for %scan3A_163 = %scan3A_137 to %scan3A_139 step %scan3A_140 iter_args(%scan3A_164 = %scan3A_136) -> (i32)  : i32 {
        %mul3A_165 = arith.constant 8 : i32
        %mul3A_166 = arith.muli %scan3A_163, %mul3A_165 : i32
        %add3A_167 = arith.constant 0 : i32
        %add3A_168 = arith.addi %mul3A_166, %add3A_167 : i32
        %mul3A_169 = arith.constant 16 : i32
        %mul3A_170 = arith.muli %add3A_168, %mul3A_169 : i32
        %get3A_171 = arith.index_cast %mul3A_170 : i32 to index
        %get3A_172 = tpu.vector_load %arg8[%get3A_171] {strides = array<i32>} : memref<8192xi32, #tpu.memory_space<vmem>>, vector<16xi32>,
        %shift_right_logical3A = arith.constant 16 : i32
        %shift_right_logical3A_173 = vector.broadcast %shift_right_logical3A : i32 to vector<16xi32>
        %shift_right_logical3A_174 = arith.shrui %get3A_172, %shift_right_logical3A_173 : vector<16xi32>
        %and3A = arith.constant 255 : i32
        %and3A_175 = vector.broadcast %and3A : i32 to vector<16xi32>
        %and3A_176 = arith.andi %shift_right_logical3A_174, %and3A_175 : vector<16xi32>
        %shift_right_logical3A_177 = arith.constant 24 : i32
        %shift_right_logical3A_178 = vector.broadcast %shift_right_logical3A_177 : i32 to vector<16xi32>
        %shift_right_logical3A_179 = arith.shrui %get3A_172, %shift_right_logical3A_178 : vector<16xi32>
        %eq3A = vector.broadcast %or3A : i32 to vector<16xi32>
        %eq3A_180 = arith.cmpi eq, %shift_right_logical3A_179, %eq3A : vector<16xi32>
        tpu.vector_store_idx %arg10[%and3A_176], %broadcast_in_dim3A_25 masked %eq3A_180 {add = true} : memref<384xi32, #tpu.memory_space<vmem>>[vector<16xi32>], vector<16xi32>, vector<16xi1>
        %mul3A_181 = arith.constant 8 : i32
        %mul3A_182 = arith.muli %scan3A_163, %mul3A_181 : i32
        %add3A_183 = arith.constant 1 : i32
        %add3A_184 = arith.addi %mul3A_182, %add3A_183 : i32
        %mul3A_185 = arith.constant 16 : i32
        %mul3A_186 = arith.muli %add3A_184, %mul3A_185 : i32
        %get3A_187 = arith.index_cast %mul3A_186 : i32 to index
        %get3A_188 = tpu.vector_load %arg8[%get3A_187] {strides = array<i32>} : memref<8192xi32, #tpu.memory_space<vmem>>, vector<16xi32>,
        %shift_right_logical3A_189 = arith.constant 16 : i32
        %shift_right_logical3A_190 = vector.broadcast %shift_right_logical3A_189 : i32 to vector<16xi32>
        %shift_right_logical3A_191 = arith.shrui %get3A_188, %shift_right_logical3A_190 : vector<16xi32>
        %and3A_192 = arith.constant 255 : i32
        %and3A_193 = vector.broadcast %and3A_192 : i32 to vector<16xi32>
        %and3A_194 = arith.andi %shift_right_logical3A_191, %and3A_193 : vector<16xi32>
        %shift_right_logical3A_195 = arith.constant 24 : i32
        %shift_right_logical3A_196 = vector.broadcast %shift_right_logical3A_195 : i32 to vector<16xi32>
        %shift_right_logical3A_197 = arith.shrui %get3A_188, %shift_right_logical3A_196 : vector<16xi32>
        %eq3A_198 = vector.broadcast %or3A : i32 to vector<16xi32>
        %eq3A_199 = arith.cmpi eq, %shift_right_logical3A_197, %eq3A_198 : vector<16xi32>
        tpu.vector_store_idx %arg10[%and3A_194], %broadcast_in_dim3A_25 masked %eq3A_199 {add = true} : memref<384xi32, #tpu.memory_space<vmem>>[vector<16xi32>], vector<16xi32>, vector<16xi1>
        %mul3A_200 = arith.constant 8 : i32
        %mul3A_201 = arith.muli %scan3A_163, %mul3A_200 : i32
        %add3A_202 = arith.constant 2 : i32
        %add3A_203 = arith.addi %mul3A_201, %add3A_202 : i32
        %mul3A_204 = arith.constant 16 : i32
        %mul3A_205 = arith.muli %add3A_203, %mul3A_204 : i32
        %get3A_206 = arith.index_cast %mul3A_205 : i32 to index
        %get3A_207 = tpu.vector_load %arg8[%get3A_206] {strides = array<i32>} : memref<8192xi32, #tpu.memory_space<vmem>>, vector<16xi32>,
        %shift_right_logical3A_208 = arith.constant 16 : i32
        %shift_right_logical3A_209 = vector.broadcast %shift_right_logical3A_208 : i32 to vector<16xi32>
        %shift_right_logical3A_210 = arith.shrui %get3A_207, %shift_right_logical3A_209 : vector<16xi32>
        %and3A_211 = arith.constant 255 : i32
        %and3A_212 = vector.broadcast %and3A_211 : i32 to vector<16xi32>
        %and3A_213 = arith.andi %shift_right_logical3A_210, %and3A_212 : vector<16xi32>
        %shift_right_logical3A_214 = arith.constant 24 : i32
        %shift_right_logical3A_215 = vector.broadcast %shift_right_logical3A_214 : i32 to vector<16xi32>
        %shift_right_logical3A_216 = arith.shrui %get3A_207, %shift_right_logical3A_215 : vector<16xi32>
        %eq3A_217 = vector.broadcast %or3A : i32 to vector<16xi32>
        %eq3A_218 = arith.cmpi eq, %shift_right_logical3A_216, %eq3A_217 : vector<16xi32>
        tpu.vector_store_idx %arg10[%and3A_213], %broadcast_in_dim3A_25 masked %eq3A_218 {add = true} : memref<384xi32, #tpu.memory_space<vmem>>[vector<16xi32>], vector<16xi32>, vector<16xi1>
        %mul3A_219 = arith.constant 8 : i32
        %mul3A_220 = arith.muli %scan3A_163, %mul3A_219 : i32
        %add3A_221 = arith.constant 3 : i32
        %add3A_222 = arith.addi %mul3A_220, %add3A_221 : i32
        %mul3A_223 = arith.constant 16 : i32
        %mul3A_224 = arith.muli %add3A_222, %mul3A_223 : i32
        %get3A_225 = arith.index_cast %mul3A_224 : i32 to index
        %get3A_226 = tpu.vector_load %arg8[%get3A_225] {strides = array<i32>} : memref<8192xi32, #tpu.memory_space<vmem>>, vector<16xi32>,
        %shift_right_logical3A_227 = arith.constant 16 : i32
        %shift_right_logical3A_228 = vector.broadcast %shift_right_logical3A_227 : i32 to vector<16xi32>
        %shift_right_logical3A_229 = arith.shrui %get3A_226, %shift_right_logical3A_228 : vector<16xi32>
        %and3A_230 = arith.constant 255 : i32
        %and3A_231 = vector.broadcast %and3A_230 : i32 to vector<16xi32>
        %and3A_232 = arith.andi %shift_right_logical3A_229, %and3A_231 : vector<16xi32>
        %shift_right_logical3A_233 = arith.constant 24 : i32
        %shift_right_logical3A_234 = vector.broadcast %shift_right_logical3A_233 : i32 to vector<16xi32>
        %shift_right_logical3A_235 = arith.shrui %get3A_226, %shift_right_logical3A_234 : vector<16xi32>
        %eq3A_236 = vector.broadcast %or3A : i32 to vector<16xi32>
        %eq3A_237 = arith.cmpi eq, %shift_right_logical3A_235, %eq3A_236 : vector<16xi32>
        tpu.vector_store_idx %arg10[%and3A_232], %broadcast_in_dim3A_25 masked %eq3A_237 {add = true} : memref<384xi32, #tpu.memory_space<vmem>>[vector<16xi32>], vector<16xi32>, vector<16xi1>
        %mul3A_238 = arith.constant 8 : i32
        %mul3A_239 = arith.muli %scan3A_163, %mul3A_238 : i32
        %add3A_240 = arith.constant 4 : i32
        %add3A_241 = arith.addi %mul3A_239, %add3A_240 : i32
        %mul3A_242 = arith.constant 16 : i32
        %mul3A_243 = arith.muli %add3A_241, %mul3A_242 : i32
        %get3A_244 = arith.index_cast %mul3A_243 : i32 to index
        %get3A_245 = tpu.vector_load %arg8[%get3A_244] {strides = array<i32>} : memref<8192xi32, #tpu.memory_space<vmem>>, vector<16xi32>,
        %shift_right_logical3A_246 = arith.constant 16 : i32
        %shift_right_logical3A_247 = vector.broadcast %shift_right_logical3A_246 : i32 to vector<16xi32>
        %shift_right_logical3A_248 = arith.shrui %get3A_245, %shift_right_logical3A_247 : vector<16xi32>
        %and3A_249 = arith.constant 255 : i32
        %and3A_250 = vector.broadcast %and3A_249 : i32 to vector<16xi32>
        %and3A_251 = arith.andi %shift_right_logical3A_248, %and3A_250 : vector<16xi32>
        %shift_right_logical3A_252 = arith.constant 24 : i32
        %shift_right_logical3A_253 = vector.broadcast %shift_right_logical3A_252 : i32 to vector<16xi32>
        %shift_right_logical3A_254 = arith.shrui %get3A_245, %shift_right_logical3A_253 : vector<16xi32>
        %eq3A_255 = vector.broadcast %or3A : i32 to vector<16xi32>
        %eq3A_256 = arith.cmpi eq, %shift_right_logical3A_254, %eq3A_255 : vector<16xi32>
        tpu.vector_store_idx %arg10[%and3A_251], %broadcast_in_dim3A_25 masked %eq3A_256 {add = true} : memref<384xi32, #tpu.memory_space<vmem>>[vector<16xi32>], vector<16xi32>, vector<16xi1>
        %mul3A_257 = arith.constant 8 : i32
        %mul3A_258 = arith.muli %scan3A_163, %mul3A_257 : i32
        %add3A_259 = arith.constant 5 : i32
        %add3A_260 = arith.addi %mul3A_258, %add3A_259 : i32
        %mul3A_261 = arith.constant 16 : i32
        %mul3A_262 = arith.muli %add3A_260, %mul3A_261 : i32
        %get3A_263 = arith.index_cast %mul3A_262 : i32 to index
        %get3A_264 = tpu.vector_load %arg8[%get3A_263] {strides = array<i32>} : memref<8192xi32, #tpu.memory_space<vmem>>, vector<16xi32>,
        %shift_right_logical3A_265 = arith.constant 16 : i32
        %shift_right_logical3A_266 = vector.broadcast %shift_right_logical3A_265 : i32 to vector<16xi32>
        %shift_right_logical3A_267 = arith.shrui %get3A_264, %shift_right_logical3A_266 : vector<16xi32>
        %and3A_268 = arith.constant 255 : i32
        %and3A_269 = vector.broadcast %and3A_268 : i32 to vector<16xi32>
        %and3A_270 = arith.andi %shift_right_logical3A_267, %and3A_269 : vector<16xi32>
        %shift_right_logical3A_271 = arith.constant 24 : i32
        %shift_right_logical3A_272 = vector.broadcast %shift_right_logical3A_271 : i32 to vector<16xi32>
        %shift_right_logical3A_273 = arith.shrui %get3A_264, %shift_right_logical3A_272 : vector<16xi32>
        %eq3A_274 = vector.broadcast %or3A : i32 to vector<16xi32>
        %eq3A_275 = arith.cmpi eq, %shift_right_logical3A_273, %eq3A_274 : vector<16xi32>
        tpu.vector_store_idx %arg10[%and3A_270], %broadcast_in_dim3A_25 masked %eq3A_275 {add = true} : memref<384xi32, #tpu.memory_space<vmem>>[vector<16xi32>], vector<16xi32>, vector<16xi1>
        %mul3A_276 = arith.constant 8 : i32
        %mul3A_277 = arith.muli %scan3A_163, %mul3A_276 : i32
        %add3A_278 = arith.constant 6 : i32
        %add3A_279 = arith.addi %mul3A_277, %add3A_278 : i32
        %mul3A_280 = arith.constant 16 : i32
        %mul3A_281 = arith.muli %add3A_279, %mul3A_280 : i32
        %get3A_282 = arith.index_cast %mul3A_281 : i32 to index
        %get3A_283 = tpu.vector_load %arg8[%get3A_282] {strides = array<i32>} : memref<8192xi32, #tpu.memory_space<vmem>>, vector<16xi32>,
        %shift_right_logical3A_284 = arith.constant 16 : i32
        %shift_right_logical3A_285 = vector.broadcast %shift_right_logical3A_284 : i32 to vector<16xi32>
        %shift_right_logical3A_286 = arith.shrui %get3A_283, %shift_right_logical3A_285 : vector<16xi32>
        %and3A_287 = arith.constant 255 : i32
        %and3A_288 = vector.broadcast %and3A_287 : i32 to vector<16xi32>
        %and3A_289 = arith.andi %shift_right_logical3A_286, %and3A_288 : vector<16xi32>
        %shift_right_logical3A_290 = arith.constant 24 : i32
        %shift_right_logical3A_291 = vector.broadcast %shift_right_logical3A_290 : i32 to vector<16xi32>
        %shift_right_logical3A_292 = arith.shrui %get3A_283, %shift_right_logical3A_291 : vector<16xi32>
        %eq3A_293 = vector.broadcast %or3A : i32 to vector<16xi32>
        %eq3A_294 = arith.cmpi eq, %shift_right_logical3A_292, %eq3A_293 : vector<16xi32>
        tpu.vector_store_idx %arg10[%and3A_289], %broadcast_in_dim3A_25 masked %eq3A_294 {add = true} : memref<384xi32, #tpu.memory_space<vmem>>[vector<16xi32>], vector<16xi32>, vector<16xi1>
        %mul3A_295 = arith.constant 8 : i32
        %mul3A_296 = arith.muli %scan3A_163, %mul3A_295 : i32
        %add3A_297 = arith.constant 7 : i32
        %add3A_298 = arith.addi %mul3A_296, %add3A_297 : i32
        %mul3A_299 = arith.constant 16 : i32
        %mul3A_300 = arith.muli %add3A_298, %mul3A_299 : i32
        %get3A_301 = arith.index_cast %mul3A_300 : i32 to index
        %get3A_302 = tpu.vector_load %arg8[%get3A_301] {strides = array<i32>} : memref<8192xi32, #tpu.memory_space<vmem>>, vector<16xi32>,
        %shift_right_logical3A_303 = arith.constant 16 : i32
        %shift_right_logical3A_304 = vector.broadcast %shift_right_logical3A_303 : i32 to vector<16xi32>
        %shift_right_logical3A_305 = arith.shrui %get3A_302, %shift_right_logical3A_304 : vector<16xi32>
        %and3A_306 = arith.constant 255 : i32
        %and3A_307 = vector.broadcast %and3A_306 : i32 to vector<16xi32>
        %and3A_308 = arith.andi %shift_right_logical3A_305, %and3A_307 : vector<16xi32>
        %shift_right_logical3A_309 = arith.constant 24 : i32
        %shift_right_logical3A_310 = vector.broadcast %shift_right_logical3A_309 : i32 to vector<16xi32>
        %shift_right_logical3A_311 = arith.shrui %get3A_302, %shift_right_logical3A_310 : vector<16xi32>
        %eq3A_312 = vector.broadcast %or3A : i32 to vector<16xi32>
        %eq3A_313 = arith.cmpi eq, %shift_right_logical3A_311, %eq3A_312 : vector<16xi32>
        tpu.vector_store_idx %arg10[%and3A_308], %broadcast_in_dim3A_25 masked %eq3A_313 {add = true} : memref<384xi32, #tpu.memory_space<vmem>>[vector<16xi32>], vector<16xi32>, vector<16xi1>
        %scan3A_314 = arith.constant 0 : i32
        scf.yield %scan3A_314 : i32
      }
      %scan3A_142 = arith.constant 64 : i32
      %while3A_143 = arith.constant false
      %while3A_144 = arith.constant 255 : i32
      %while3A_145 = arith.constant 0 : i32
      %while3A_146 = arith.constant 0 : i32
      %while3A_147:5 = scf.while (%while3A_163 = %while3A_143, %while3A_164 = %while3A_144, %while3A_165 = %while3A_145, %while3A_166 = %while3A_146, %while3A_167 = %while3A_85#4) : (i1, i32, i32, i32, i32) -> (i1, i32, i32, i32, i32) {
        %not3A = arith.constant true
        %not3A_168 = arith.xori %while3A_163, %not3A : i1
        scf.condition(%not3A_168) %while3A_163, %while3A_164, %while3A_165, %while3A_166, %while3A_167 : i1, i32, i32, i32, i32
      } do {
      ^bb0(%while3A_163: i1, %while3A_164: i32, %while3A_165: i32, %while3A_166: i32, %while3A_167: i32):
        %get3A_168 = arith.index_cast %while3A_164 : i32 to index
        %get3A_169 = tpu.vector_load %arg10[%get3A_168] {strides = array<i32>} : memref<384xi32, #tpu.memory_space<vmem>>, vector<16xi32>,
        %slice3A = vector.extract_strided_slice %get3A_169 {offsets = [0], sizes = [1], strides = [1]} : vector<16xi32> to vector<1xi32>
        %squeeze3A = vector.extract %slice3A[0] : i32 from vector<1xi32>
        %add3A_170 = arith.addi %while3A_165, %squeeze3A : i32
        %ge3A = arith.cmpi sge, %add3A_170, %while3A_167 : i32
        %sub3A = arith.constant 1 : i32
        %sub3A_171 = arith.subi %while3A_164, %sub3A : i32
        %add3A_172 = arith.addi %while3A_165, %squeeze3A : i32
        %select_n3A = arith.select %ge3A, %while3A_165, %add3A_172 : i32
        %select_n3A_173 = arith.select %ge3A, %while3A_164, %while3A_166 : i32
        %sub3A_174 = arith.subi %while3A_167, %while3A_165 : i32
        %select_n3A_175 = arith.select %ge3A, %sub3A_174, %while3A_167 : i32
        scf.yield %ge3A, %sub3A_171, %select_n3A, %select_n3A_173, %select_n3A_175 : i1, i32, i32, i32, i32
      }
      %shift_left3A_148 = arith.constant 8 : i32
      %shift_left3A_149 = arith.shli %or3A, %shift_left3A_148 : i32
      %or3A_150 = arith.ori %shift_left3A_149, %while3A_147#3 : i32
      %shift_left3A_151 = arith.constant 16 : i32
      %shift_left3A_152 = arith.shli %or3A_150, %shift_left3A_151 : i32
      %xor3A = arith.xori %shift_left3A_152, %cond3A : i32
      %broadcast_in_dim3A_153 = arith.constant 0.000000e+00 : f32
      %broadcast_in_dim3A_154 = vector.broadcast %broadcast_in_dim3A_153 : f32 to vector<16xf32>
      %scan3A_155 = arith.constant 0 : i32
      %scan3A_156 = arith.constant 64 : i32
      %scan3A_157 = arith.addi %scan3A_155, %scan3A_156 : i32
      %scan3A_158 = arith.constant 1 : i32
      %scan3A_159 = scf.for %scan3A_163 = %scan3A_155 to %scan3A_157 step %scan3A_158 iter_args(%scan3A_164 = %broadcast_in_dim3A_154) -> (vector<16xf32>)  : i32 {
        %mul3A_165 = arith.constant 8 : i32
        %mul3A_166 = arith.muli %scan3A_163, %mul3A_165 : i32
        %add3A_167 = arith.constant 0 : i32
        %add3A_168 = arith.addi %mul3A_166, %add3A_167 : i32
        %mul3A_169 = arith.constant 16 : i32
        %mul3A_170 = arith.muli %add3A_168, %mul3A_169 : i32
        %get3A_171 = arith.index_cast %mul3A_170 : i32 to index
        %get3A_172 = tpu.vector_load %arg8[%get3A_171] {strides = array<i32>} : memref<8192xi32, #tpu.memory_space<vmem>>, vector<16xi32>,
        %mul3A_173 = arith.constant 8 : i32
        %mul3A_174 = arith.muli %scan3A_163, %mul3A_173 : i32
        %add3A_175 = arith.constant 0 : i32
        %add3A_176 = arith.addi %mul3A_174, %add3A_175 : i32
        %mul3A_177 = arith.constant 16 : i32
        %mul3A_178 = arith.muli %add3A_176, %mul3A_177 : i32
        %get3A_179 = arith.index_cast %mul3A_178 : i32 to index
        %get3A_180 = tpu.vector_load %arg7[%get3A_179] {strides = array<i32>} : memref<8192xf32, #tpu.memory_space<vmem>>, vector<16xf32>,
        %xor3A_181 = vector.broadcast %cond3A : i32 to vector<16xi32>
        %xor3A_182 = arith.xori %get3A_172, %xor3A_181 : vector<16xi32>
        %ge3A = vector.broadcast %xor3A : i32 to vector<16xi32>
        %ge3A_183 = arith.cmpi sge, %xor3A_182, %ge3A : vector<16xi32>
        %sub3A = arith.subf %get3A_180, %max3A_24 : vector<16xf32>
        %exp3A = math.exp %sub3A : vector<16xf32>
        %jit3A = arith.constant 0.000000e+00 : f32
        %broadcast_in_dim3A_184 = vector.broadcast %jit3A : f32 to vector<16xf32>
        %select_n3A = arith.select %ge3A_183, %exp3A, %broadcast_in_dim3A_184 : vector<16xi1>, vector<16xf32>
        %mul3A_185 = arith.constant 8 : i32
        %mul3A_186 = arith.muli %scan3A_163, %mul3A_185 : i32
        %add3A_187 = arith.constant 0 : i32
        %add3A_188 = arith.addi %mul3A_186, %add3A_187 : i32
        %mul3A_189 = arith.constant 16 : i32
        %mul3A_190 = arith.muli %add3A_188, %mul3A_189 : i32
        %swap3A_191 = arith.index_cast %mul3A_190 : i32 to index
        %swap3A_192 = tpu.vector_load %arg9[%swap3A_191] {strides = array<i32>} : memref<8192xf32, #tpu.memory_space<vmem>>, vector<16xf32>,
        tpu.vector_store %arg9[%swap3A_191], %select_n3A {strides = array<i32>} : memref<8192xf32, #tpu.memory_space<vmem>>, vector<16xf32>,
        %add3A_193 = arith.addf %scan3A_164, %select_n3A : vector<16xf32>
        %mul3A_194 = arith.constant 8 : i32
        %mul3A_195 = arith.muli %scan3A_163, %mul3A_194 : i32
        %add3A_196 = arith.constant 1 : i32
        %add3A_197 = arith.addi %mul3A_195, %add3A_196 : i32
        %mul3A_198 = arith.constant 16 : i32
        %mul3A_199 = arith.muli %add3A_197, %mul3A_198 : i32
        %get3A_200 = arith.index_cast %mul3A_199 : i32 to index
        %get3A_201 = tpu.vector_load %arg8[%get3A_200] {strides = array<i32>} : memref<8192xi32, #tpu.memory_space<vmem>>, vector<16xi32>,
        %mul3A_202 = arith.constant 8 : i32
        %mul3A_203 = arith.muli %scan3A_163, %mul3A_202 : i32
        %add3A_204 = arith.constant 1 : i32
        %add3A_205 = arith.addi %mul3A_203, %add3A_204 : i32
        %mul3A_206 = arith.constant 16 : i32
        %mul3A_207 = arith.muli %add3A_205, %mul3A_206 : i32
        %get3A_208 = arith.index_cast %mul3A_207 : i32 to index
        %get3A_209 = tpu.vector_load %arg7[%get3A_208] {strides = array<i32>} : memref<8192xf32, #tpu.memory_space<vmem>>, vector<16xf32>,
        %xor3A_210 = vector.broadcast %cond3A : i32 to vector<16xi32>
        %xor3A_211 = arith.xori %get3A_201, %xor3A_210 : vector<16xi32>
        %ge3A_212 = vector.broadcast %xor3A : i32 to vector<16xi32>
        %ge3A_213 = arith.cmpi sge, %xor3A_211, %ge3A_212 : vector<16xi32>
        %sub3A_214 = arith.subf %get3A_209, %max3A_24 : vector<16xf32>
        %exp3A_215 = math.exp %sub3A_214 : vector<16xf32>
        %jit3A_216 = arith.constant 0.000000e+00 : f32
        %broadcast_in_dim3A_217 = vector.broadcast %jit3A_216 : f32 to vector<16xf32>
        %select_n3A_218 = arith.select %ge3A_213, %exp3A_215, %broadcast_in_dim3A_217 : vector<16xi1>, vector<16xf32>
        %mul3A_219 = arith.constant 8 : i32
        %mul3A_220 = arith.muli %scan3A_163, %mul3A_219 : i32
        %add3A_221 = arith.constant 1 : i32
        %add3A_222 = arith.addi %mul3A_220, %add3A_221 : i32
        %mul3A_223 = arith.constant 16 : i32
        %mul3A_224 = arith.muli %add3A_222, %mul3A_223 : i32
        %swap3A_225 = arith.index_cast %mul3A_224 : i32 to index
        %swap3A_226 = tpu.vector_load %arg9[%swap3A_225] {strides = array<i32>} : memref<8192xf32, #tpu.memory_space<vmem>>, vector<16xf32>,
        tpu.vector_store %arg9[%swap3A_225], %select_n3A_218 {strides = array<i32>} : memref<8192xf32, #tpu.memory_space<vmem>>, vector<16xf32>,
        %add3A_227 = arith.addf %add3A_193, %select_n3A_218 : vector<16xf32>
        %mul3A_228 = arith.constant 8 : i32
        %mul3A_229 = arith.muli %scan3A_163, %mul3A_228 : i32
        %add3A_230 = arith.constant 2 : i32
        %add3A_231 = arith.addi %mul3A_229, %add3A_230 : i32
        %mul3A_232 = arith.constant 16 : i32
        %mul3A_233 = arith.muli %add3A_231, %mul3A_232 : i32
        %get3A_234 = arith.index_cast %mul3A_233 : i32 to index
        %get3A_235 = tpu.vector_load %arg8[%get3A_234] {strides = array<i32>} : memref<8192xi32, #tpu.memory_space<vmem>>, vector<16xi32>,
        %mul3A_236 = arith.constant 8 : i32
        %mul3A_237 = arith.muli %scan3A_163, %mul3A_236 : i32
        %add3A_238 = arith.constant 2 : i32
        %add3A_239 = arith.addi %mul3A_237, %add3A_238 : i32
        %mul3A_240 = arith.constant 16 : i32
        %mul3A_241 = arith.muli %add3A_239, %mul3A_240 : i32
        %get3A_242 = arith.index_cast %mul3A_241 : i32 to index
        %get3A_243 = tpu.vector_load %arg7[%get3A_242] {strides = array<i32>} : memref<8192xf32, #tpu.memory_space<vmem>>, vector<16xf32>,
        %xor3A_244 = vector.broadcast %cond3A : i32 to vector<16xi32>
        %xor3A_245 = arith.xori %get3A_235, %xor3A_244 : vector<16xi32>
        %ge3A_246 = vector.broadcast %xor3A : i32 to vector<16xi32>
        %ge3A_247 = arith.cmpi sge, %xor3A_245, %ge3A_246 : vector<16xi32>
        %sub3A_248 = arith.subf %get3A_243, %max3A_24 : vector<16xf32>
        %exp3A_249 = math.exp %sub3A_248 : vector<16xf32>
        %jit3A_250 = arith.constant 0.000000e+00 : f32
        %broadcast_in_dim3A_251 = vector.broadcast %jit3A_250 : f32 to vector<16xf32>
        %select_n3A_252 = arith.select %ge3A_247, %exp3A_249, %broadcast_in_dim3A_251 : vector<16xi1>, vector<16xf32>
        %mul3A_253 = arith.constant 8 : i32
        %mul3A_254 = arith.muli %scan3A_163, %mul3A_253 : i32
        %add3A_255 = arith.constant 2 : i32
        %add3A_256 = arith.addi %mul3A_254, %add3A_255 : i32
        %mul3A_257 = arith.constant 16 : i32
        %mul3A_258 = arith.muli %add3A_256, %mul3A_257 : i32
        %swap3A_259 = arith.index_cast %mul3A_258 : i32 to index
        %swap3A_260 = tpu.vector_load %arg9[%swap3A_259] {strides = array<i32>} : memref<8192xf32, #tpu.memory_space<vmem>>, vector<16xf32>,
        tpu.vector_store %arg9[%swap3A_259], %select_n3A_252 {strides = array<i32>} : memref<8192xf32, #tpu.memory_space<vmem>>, vector<16xf32>,
        %add3A_261 = arith.addf %add3A_227, %select_n3A_252 : vector<16xf32>
        %mul3A_262 = arith.constant 8 : i32
        %mul3A_263 = arith.muli %scan3A_163, %mul3A_262 : i32
        %add3A_264 = arith.constant 3 : i32
        %add3A_265 = arith.addi %mul3A_263, %add3A_264 : i32
        %mul3A_266 = arith.constant 16 : i32
        %mul3A_267 = arith.muli %add3A_265, %mul3A_266 : i32
        %get3A_268 = arith.index_cast %mul3A_267 : i32 to index
        %get3A_269 = tpu.vector_load %arg8[%get3A_268] {strides = array<i32>} : memref<8192xi32, #tpu.memory_space<vmem>>, vector<16xi32>,
        %mul3A_270 = arith.constant 8 : i32
        %mul3A_271 = arith.muli %scan3A_163, %mul3A_270 : i32
        %add3A_272 = arith.constant 3 : i32
        %add3A_273 = arith.addi %mul3A_271, %add3A_272 : i32
        %mul3A_274 = arith.constant 16 : i32
        %mul3A_275 = arith.muli %add3A_273, %mul3A_274 : i32
        %get3A_276 = arith.index_cast %mul3A_275 : i32 to index
        %get3A_277 = tpu.vector_load %arg7[%get3A_276] {strides = array<i32>} : memref<8192xf32, #tpu.memory_space<vmem>>, vector<16xf32>,
        %xor3A_278 = vector.broadcast %cond3A : i32 to vector<16xi32>
        %xor3A_279 = arith.xori %get3A_269, %xor3A_278 : vector<16xi32>
        %ge3A_280 = vector.broadcast %xor3A : i32 to vector<16xi32>
        %ge3A_281 = arith.cmpi sge, %xor3A_279, %ge3A_280 : vector<16xi32>
        %sub3A_282 = arith.subf %get3A_277, %max3A_24 : vector<16xf32>
        %exp3A_283 = math.exp %sub3A_282 : vector<16xf32>
        %jit3A_284 = arith.constant 0.000000e+00 : f32
        %broadcast_in_dim3A_285 = vector.broadcast %jit3A_284 : f32 to vector<16xf32>
        %select_n3A_286 = arith.select %ge3A_281, %exp3A_283, %broadcast_in_dim3A_285 : vector<16xi1>, vector<16xf32>
        %mul3A_287 = arith.constant 8 : i32
        %mul3A_288 = arith.muli %scan3A_163, %mul3A_287 : i32
        %add3A_289 = arith.constant 3 : i32
        %add3A_290 = arith.addi %mul3A_288, %add3A_289 : i32
        %mul3A_291 = arith.constant 16 : i32
        %mul3A_292 = arith.muli %add3A_290, %mul3A_291 : i32
        %swap3A_293 = arith.index_cast %mul3A_292 : i32 to index
        %swap3A_294 = tpu.vector_load %arg9[%swap3A_293] {strides = array<i32>} : memref<8192xf32, #tpu.memory_space<vmem>>, vector<16xf32>,
        tpu.vector_store %arg9[%swap3A_293], %select_n3A_286 {strides = array<i32>} : memref<8192xf32, #tpu.memory_space<vmem>>, vector<16xf32>,
        %add3A_295 = arith.addf %add3A_261, %select_n3A_286 : vector<16xf32>
        %mul3A_296 = arith.constant 8 : i32
        %mul3A_297 = arith.muli %scan3A_163, %mul3A_296 : i32
        %add3A_298 = arith.constant 4 : i32
        %add3A_299 = arith.addi %mul3A_297, %add3A_298 : i32
        %mul3A_300 = arith.constant 16 : i32
        %mul3A_301 = arith.muli %add3A_299, %mul3A_300 : i32
        %get3A_302 = arith.index_cast %mul3A_301 : i32 to index
        %get3A_303 = tpu.vector_load %arg8[%get3A_302] {strides = array<i32>} : memref<8192xi32, #tpu.memory_space<vmem>>, vector<16xi32>,
        %mul3A_304 = arith.constant 8 : i32
        %mul3A_305 = arith.muli %scan3A_163, %mul3A_304 : i32
        %add3A_306 = arith.constant 4 : i32
        %add3A_307 = arith.addi %mul3A_305, %add3A_306 : i32
        %mul3A_308 = arith.constant 16 : i32
        %mul3A_309 = arith.muli %add3A_307, %mul3A_308 : i32
        %get3A_310 = arith.index_cast %mul3A_309 : i32 to index
        %get3A_311 = tpu.vector_load %arg7[%get3A_310] {strides = array<i32>} : memref<8192xf32, #tpu.memory_space<vmem>>, vector<16xf32>,
        %xor3A_312 = vector.broadcast %cond3A : i32 to vector<16xi32>
        %xor3A_313 = arith.xori %get3A_303, %xor3A_312 : vector<16xi32>
        %ge3A_314 = vector.broadcast %xor3A : i32 to vector<16xi32>
        %ge3A_315 = arith.cmpi sge, %xor3A_313, %ge3A_314 : vector<16xi32>
        %sub3A_316 = arith.subf %get3A_311, %max3A_24 : vector<16xf32>
        %exp3A_317 = math.exp %sub3A_316 : vector<16xf32>
        %jit3A_318 = arith.constant 0.000000e+00 : f32
        %broadcast_in_dim3A_319 = vector.broadcast %jit3A_318 : f32 to vector<16xf32>
        %select_n3A_320 = arith.select %ge3A_315, %exp3A_317, %broadcast_in_dim3A_319 : vector<16xi1>, vector<16xf32>
        %mul3A_321 = arith.constant 8 : i32
        %mul3A_322 = arith.muli %scan3A_163, %mul3A_321 : i32
        %add3A_323 = arith.constant 4 : i32
        %add3A_324 = arith.addi %mul3A_322, %add3A_323 : i32
        %mul3A_325 = arith.constant 16 : i32
        %mul3A_326 = arith.muli %add3A_324, %mul3A_325 : i32
        %swap3A_327 = arith.index_cast %mul3A_326 : i32 to index
        %swap3A_328 = tpu.vector_load %arg9[%swap3A_327] {strides = array<i32>} : memref<8192xf32, #tpu.memory_space<vmem>>, vector<16xf32>,
        tpu.vector_store %arg9[%swap3A_327], %select_n3A_320 {strides = array<i32>} : memref<8192xf32, #tpu.memory_space<vmem>>, vector<16xf32>,
        %add3A_329 = arith.addf %add3A_295, %select_n3A_320 : vector<16xf32>
        %mul3A_330 = arith.constant 8 : i32
        %mul3A_331 = arith.muli %scan3A_163, %mul3A_330 : i32
        %add3A_332 = arith.constant 5 : i32
        %add3A_333 = arith.addi %mul3A_331, %add3A_332 : i32
        %mul3A_334 = arith.constant 16 : i32
        %mul3A_335 = arith.muli %add3A_333, %mul3A_334 : i32
        %get3A_336 = arith.index_cast %mul3A_335 : i32 to index
        %get3A_337 = tpu.vector_load %arg8[%get3A_336] {strides = array<i32>} : memref<8192xi32, #tpu.memory_space<vmem>>, vector<16xi32>,
        %mul3A_338 = arith.constant 8 : i32
        %mul3A_339 = arith.muli %scan3A_163, %mul3A_338 : i32
        %add3A_340 = arith.constant 5 : i32
        %add3A_341 = arith.addi %mul3A_339, %add3A_340 : i32
        %mul3A_342 = arith.constant 16 : i32
        %mul3A_343 = arith.muli %add3A_341, %mul3A_342 : i32
        %get3A_344 = arith.index_cast %mul3A_343 : i32 to index
        %get3A_345 = tpu.vector_load %arg7[%get3A_344] {strides = array<i32>} : memref<8192xf32, #tpu.memory_space<vmem>>, vector<16xf32>,
        %xor3A_346 = vector.broadcast %cond3A : i32 to vector<16xi32>
        %xor3A_347 = arith.xori %get3A_337, %xor3A_346 : vector<16xi32>
        %ge3A_348 = vector.broadcast %xor3A : i32 to vector<16xi32>
        %ge3A_349 = arith.cmpi sge, %xor3A_347, %ge3A_348 : vector<16xi32>
        %sub3A_350 = arith.subf %get3A_345, %max3A_24 : vector<16xf32>
        %exp3A_351 = math.exp %sub3A_350 : vector<16xf32>
        %jit3A_352 = arith.constant 0.000000e+00 : f32
        %broadcast_in_dim3A_353 = vector.broadcast %jit3A_352 : f32 to vector<16xf32>
        %select_n3A_354 = arith.select %ge3A_349, %exp3A_351, %broadcast_in_dim3A_353 : vector<16xi1>, vector<16xf32>
        %mul3A_355 = arith.constant 8 : i32
        %mul3A_356 = arith.muli %scan3A_163, %mul3A_355 : i32
        %add3A_357 = arith.constant 5 : i32
        %add3A_358 = arith.addi %mul3A_356, %add3A_357 : i32
        %mul3A_359 = arith.constant 16 : i32
        %mul3A_360 = arith.muli %add3A_358, %mul3A_359 : i32
        %swap3A_361 = arith.index_cast %mul3A_360 : i32 to index
        %swap3A_362 = tpu.vector_load %arg9[%swap3A_361] {strides = array<i32>} : memref<8192xf32, #tpu.memory_space<vmem>>, vector<16xf32>,
        tpu.vector_store %arg9[%swap3A_361], %select_n3A_354 {strides = array<i32>} : memref<8192xf32, #tpu.memory_space<vmem>>, vector<16xf32>,
        %add3A_363 = arith.addf %add3A_329, %select_n3A_354 : vector<16xf32>
        %mul3A_364 = arith.constant 8 : i32
        %mul3A_365 = arith.muli %scan3A_163, %mul3A_364 : i32
        %add3A_366 = arith.constant 6 : i32
        %add3A_367 = arith.addi %mul3A_365, %add3A_366 : i32
        %mul3A_368 = arith.constant 16 : i32
        %mul3A_369 = arith.muli %add3A_367, %mul3A_368 : i32
        %get3A_370 = arith.index_cast %mul3A_369 : i32 to index
        %get3A_371 = tpu.vector_load %arg8[%get3A_370] {strides = array<i32>} : memref<8192xi32, #tpu.memory_space<vmem>>, vector<16xi32>,
        %mul3A_372 = arith.constant 8 : i32
        %mul3A_373 = arith.muli %scan3A_163, %mul3A_372 : i32
        %add3A_374 = arith.constant 6 : i32
        %add3A_375 = arith.addi %mul3A_373, %add3A_374 : i32
        %mul3A_376 = arith.constant 16 : i32
        %mul3A_377 = arith.muli %add3A_375, %mul3A_376 : i32
        %get3A_378 = arith.index_cast %mul3A_377 : i32 to index
        %get3A_379 = tpu.vector_load %arg7[%get3A_378] {strides = array<i32>} : memref<8192xf32, #tpu.memory_space<vmem>>, vector<16xf32>,
        %xor3A_380 = vector.broadcast %cond3A : i32 to vector<16xi32>
        %xor3A_381 = arith.xori %get3A_371, %xor3A_380 : vector<16xi32>
        %ge3A_382 = vector.broadcast %xor3A : i32 to vector<16xi32>
        %ge3A_383 = arith.cmpi sge, %xor3A_381, %ge3A_382 : vector<16xi32>
        %sub3A_384 = arith.subf %get3A_379, %max3A_24 : vector<16xf32>
        %exp3A_385 = math.exp %sub3A_384 : vector<16xf32>
        %jit3A_386 = arith.constant 0.000000e+00 : f32
        %broadcast_in_dim3A_387 = vector.broadcast %jit3A_386 : f32 to vector<16xf32>
        %select_n3A_388 = arith.select %ge3A_383, %exp3A_385, %broadcast_in_dim3A_387 : vector<16xi1>, vector<16xf32>
        %mul3A_389 = arith.constant 8 : i32
        %mul3A_390 = arith.muli %scan3A_163, %mul3A_389 : i32
        %add3A_391 = arith.constant 6 : i32
        %add3A_392 = arith.addi %mul3A_390, %add3A_391 : i32
        %mul3A_393 = arith.constant 16 : i32
        %mul3A_394 = arith.muli %add3A_392, %mul3A_393 : i32
        %swap3A_395 = arith.index_cast %mul3A_394 : i32 to index
        %swap3A_396 = tpu.vector_load %arg9[%swap3A_395] {strides = array<i32>} : memref<8192xf32, #tpu.memory_space<vmem>>, vector<16xf32>,
        tpu.vector_store %arg9[%swap3A_395], %select_n3A_388 {strides = array<i32>} : memref<8192xf32, #tpu.memory_space<vmem>>, vector<16xf32>,
        %add3A_397 = arith.addf %add3A_363, %select_n3A_388 : vector<16xf32>
        %mul3A_398 = arith.constant 8 : i32
        %mul3A_399 = arith.muli %scan3A_163, %mul3A_398 : i32
        %add3A_400 = arith.constant 7 : i32
        %add3A_401 = arith.addi %mul3A_399, %add3A_400 : i32
        %mul3A_402 = arith.constant 16 : i32
        %mul3A_403 = arith.muli %add3A_401, %mul3A_402 : i32
        %get3A_404 = arith.index_cast %mul3A_403 : i32 to index
        %get3A_405 = tpu.vector_load %arg8[%get3A_404] {strides = array<i32>} : memref<8192xi32, #tpu.memory_space<vmem>>, vector<16xi32>,
        %mul3A_406 = arith.constant 8 : i32
        %mul3A_407 = arith.muli %scan3A_163, %mul3A_406 : i32
        %add3A_408 = arith.constant 7 : i32
        %add3A_409 = arith.addi %mul3A_407, %add3A_408 : i32
        %mul3A_410 = arith.constant 16 : i32
        %mul3A_411 = arith.muli %add3A_409, %mul3A_410 : i32
        %get3A_412 = arith.index_cast %mul3A_411 : i32 to index
        %get3A_413 = tpu.vector_load %arg7[%get3A_412] {strides = array<i32>} : memref<8192xf32, #tpu.memory_space<vmem>>, vector<16xf32>,
        %xor3A_414 = vector.broadcast %cond3A : i32 to vector<16xi32>
        %xor3A_415 = arith.xori %get3A_405, %xor3A_414 : vector<16xi32>
        %ge3A_416 = vector.broadcast %xor3A : i32 to vector<16xi32>
        %ge3A_417 = arith.cmpi sge, %xor3A_415, %ge3A_416 : vector<16xi32>
        %sub3A_418 = arith.subf %get3A_413, %max3A_24 : vector<16xf32>
        %exp3A_419 = math.exp %sub3A_418 : vector<16xf32>
        %jit3A_420 = arith.constant 0.000000e+00 : f32
        %broadcast_in_dim3A_421 = vector.broadcast %jit3A_420 : f32 to vector<16xf32>
        %select_n3A_422 = arith.select %ge3A_417, %exp3A_419, %broadcast_in_dim3A_421 : vector<16xi1>, vector<16xf32>
        %mul3A_423 = arith.constant 8 : i32
        %mul3A_424 = arith.muli %scan3A_163, %mul3A_423 : i32
        %add3A_425 = arith.constant 7 : i32
        %add3A_426 = arith.addi %mul3A_424, %add3A_425 : i32
        %mul3A_427 = arith.constant 16 : i32
        %mul3A_428 = arith.muli %add3A_426, %mul3A_427 : i32
        %swap3A_429 = arith.index_cast %mul3A_428 : i32 to index
        %swap3A_430 = tpu.vector_load %arg9[%swap3A_429] {strides = array<i32>} : memref<8192xf32, #tpu.memory_space<vmem>>, vector<16xf32>,
        tpu.vector_store %arg9[%swap3A_429], %select_n3A_422 {strides = array<i32>} : memref<8192xf32, #tpu.memory_space<vmem>>, vector<16xf32>,
        %add3A_431 = arith.addf %add3A_397, %select_n3A_422 : vector<16xf32>
        scf.yield %add3A_431 : vector<16xf32>
      }
      %scan3A_160 = arith.constant 64 : i32
      %swap3A_161 = arith.constant 0 : index
      %swap3A_162 = tpu.vector_load %arg12[%swap3A_161] {strides = array<i32>} : memref<16xf32, #tpu.memory_space<vmem>>, vector<16xf32>,
      tpu.vector_store %arg12[%swap3A_161], %scan3A_159 {strides = array<i32>} : memref<16xf32, #tpu.memory_space<vmem>>, vector<16xf32>,
      "tpu.region"() ({
        %run_scoped3A = tpu.sem_alloc : memref<!tpu.dma_semaphore, #tpu.memory_space<semaphore_mem>>
        %dma_start3A = arith.constant 0 : i32
        %dma_start3A_163 = tpu.memref_slice %arg5[%add3A, %dma_start3A] : memref<4x8192xf32, #tpu.memory_space<hbm>> -> memref<1x8192xf32, #tpu.memory_space<hbm>>
        %dma_start3A_164 = tpu.memref_squeeze %dma_start3A_163 : memref<1x8192xf32, #tpu.memory_space<hbm>> -> memref<8192xf32, #tpu.memory_space<hbm>>
        %dma_start3A_165 = arith.constant 0 : i32
        %dma_start3A_166 = tpu.memref_slice %arg5[%add3A, %dma_start3A_165] : memref<4x8192xf32, #tpu.memory_space<hbm>> -> memref<1x8192xf32, #tpu.memory_space<hbm>>
        %dma_start3A_167 = tpu.memref_squeeze %dma_start3A_166 : memref<1x8192xf32, #tpu.memory_space<hbm>> -> memref<8192xf32, #tpu.memory_space<hbm>>
        tpu.enqueue_dma source(%arg9 : memref<8192xf32, #tpu.memory_space<vmem>>) target(%dma_start3A_167 : memref<8192xf32, #tpu.memory_space<hbm>>) target_semaphore(%run_scoped3A : memref<!tpu.dma_semaphore, #tpu.memory_space<semaphore_mem>>)
        %dma_wait3A = arith.constant 0 : i32
        %dma_wait3A_168 = tpu.memref_slice %arg5[%add3A, %dma_wait3A] : memref<4x8192xf32, #tpu.memory_space<hbm>> -> memref<1x8192xf32, #tpu.memory_space<hbm>>
        %dma_wait3A_169 = tpu.memref_squeeze %dma_wait3A_168 : memref<1x8192xf32, #tpu.memory_space<hbm>> -> memref<8192xf32, #tpu.memory_space<hbm>>
        %dma_wait3A_170 = arith.constant 0 : i32
        %dma_wait3A_171 = tpu.memref_slice %arg5[%add3A, %dma_wait3A_170] : memref<4x8192xf32, #tpu.memory_space<hbm>> -> memref<1x8192xf32, #tpu.memory_space<hbm>>
        %dma_wait3A_172 = tpu.memref_squeeze %dma_wait3A_171 : memref<1x8192xf32, #tpu.memory_space<hbm>> -> memref<8192xf32, #tpu.memory_space<hbm>>
        tpu.wait_dma2 semaphore(%run_scoped3A : memref<!tpu.dma_semaphore, #tpu.memory_space<semaphore_mem>>) src(%arg9 : memref<8192xf32, #tpu.memory_space<vmem>>) dst(%dma_wait3A_172 : memref<8192xf32, #tpu.memory_space<hbm>>)
        tpu.yield
      }) : () -> ()
      "tpu.region"() ({
        %run_scoped3A = tpu.sem_alloc : memref<!tpu.dma_semaphore, #tpu.memory_space<semaphore_mem>>
        %dma_start3A = arith.constant 0 : i32
        %dma_start3A_163 = tpu.memref_slice %arg6[%add3A, %dma_start3A] : memref<4x16xf32, #tpu.memory_space<hbm>> -> memref<1x16xf32, #tpu.memory_space<hbm>>
        %dma_start3A_164 = tpu.memref_squeeze %dma_start3A_163 : memref<1x16xf32, #tpu.memory_space<hbm>> -> memref<16xf32, #tpu.memory_space<hbm>>
        %dma_start3A_165 = arith.constant 0 : i32
        %dma_start3A_166 = tpu.memref_slice %arg6[%add3A, %dma_start3A_165] : memref<4x16xf32, #tpu.memory_space<hbm>> -> memref<1x16xf32, #tpu.memory_space<hbm>>
        %dma_start3A_167 = tpu.memref_squeeze %dma_start3A_166 : memref<1x16xf32, #tpu.memory_space<hbm>> -> memref<16xf32, #tpu.memory_space<hbm>>
        tpu.enqueue_dma source(%arg12 : memref<16xf32, #tpu.memory_space<vmem>>) target(%dma_start3A_167 : memref<16xf32, #tpu.memory_space<hbm>>) target_semaphore(%run_scoped3A : memref<!tpu.dma_semaphore, #tpu.memory_space<semaphore_mem>>)
        %dma_wait3A = arith.constant 0 : i32
        %dma_wait3A_168 = tpu.memref_slice %arg6[%add3A, %dma_wait3A] : memref<4x16xf32, #tpu.memory_space<hbm>> -> memref<1x16xf32, #tpu.memory_space<hbm>>
        %dma_wait3A_169 = tpu.memref_squeeze %dma_wait3A_168 : memref<1x16xf32, #tpu.memory_space<hbm>> -> memref<16xf32, #tpu.memory_space<hbm>>
        %dma_wait3A_170 = arith.constant 0 : i32
        %dma_wait3A_171 = tpu.memref_slice %arg6[%add3A, %dma_wait3A_170] : memref<4x16xf32, #tpu.memory_space<hbm>> -> memref<1x16xf32, #tpu.memory_space<hbm>>
        %dma_wait3A_172 = tpu.memref_squeeze %dma_wait3A_171 : memref<1x16xf32, #tpu.memory_space<hbm>> -> memref<16xf32, #tpu.memory_space<hbm>>
        tpu.wait_dma2 semaphore(%run_scoped3A : memref<!tpu.dma_semaphore, #tpu.memory_space<semaphore_mem>>) src(%arg12 : memref<16xf32, #tpu.memory_space<vmem>>) dst(%dma_wait3A_172 : memref<16xf32, #tpu.memory_space<hbm>>)
        tpu.yield
      }) : () -> ()
    } else {
    }
    return
  }
}

module attributes {stable_mosaic.version = 14 : i64} {
  func.func @_logits_kernel(%arg0: i32, %arg1: i32, %arg2: memref<1x1024x1024xf32, #tpu.memory_space<vmem>>, %arg3: memref<1x1024xf32, #tpu.memory_space<vmem>>, %arg4: memref<1x1x1x1024xf32, #tpu.memory_space<vmem>>, %arg5: memref<1x1x1x1024xi32, #tpu.memory_space<vmem>>, %arg6: memref<1x1x1x16xf32, #tpu.memory_space<vmem>>) attributes {dimension_semantics = [#tpu.dimension_semantics<parallel>, #tpu.dimension_semantics<parallel>], iteration_bounds = array<i64: 4, 8>, scalar_prefetch = 0 : i64, scratch_operands = 0 : i64, tpu.core_type = #tpu.core_type<tc>, window_params = [{transform_indices = @transform_0, window_bounds = array<i64: 1, 1024, 1024>}, {pipeline_mode = #tpu.pipeline_mode<synchronous>, transform_indices = @transform_1, window_bounds = array<i64: 1, 1024>}, {transform_indices = @transform_2, window_bounds = array<i64: 1, 1, 1, 1024>}, {transform_indices = @transform_3, window_bounds = array<i64: 1, 1, 1, 1024>}, {transform_indices = @transform_4, window_bounds = array<i64: 1, 1, 1, 16>}]} {
    %get3A = arith.constant 0 : index
    %get3A_0 = arith.constant 0 : index
    %get3A_1 = arith.constant 0 : index
    %get3A_2 = vector.load %arg2[%get3A, %get3A_0, %get3A_1] : memref<1x1024x1024xf32, #tpu.memory_space<vmem>>, vector<1x1024x1024xf32>
    %get3A_3 = vector.shape_cast %get3A_2 : vector<1x1024x1024xf32> to vector<1024x1024xf32>
    %get3A_4 = arith.constant 0 : index
    %get3A_5 = arith.constant 0 : index
    %get3A_6 = vector.load %arg3[%get3A_4, %get3A_5] : memref<1x1024xf32, #tpu.memory_space<vmem>>, vector<1x1024xf32>
    %get3A_7 = vector.shape_cast %get3A_6 : vector<1x1024xf32> to vector<1024xf32>
    %broadcast_in_dim3A = vector.shape_cast %get3A_7 : vector<1024xf32> to vector<1x1024xf32>
    %mul3A = vector.broadcast %broadcast_in_dim3A : vector<1x1024xf32> to vector<1024x1024xf32>
    %mul3A_8 = arith.mulf %get3A_3, %mul3A : vector<1024x1024xf32>
    %reduce_sum3A = arith.constant dense<0.000000e+00> : vector<1024xf32>
    %reduce_sum3A_9 = vector.multi_reduction <add>, %mul3A_8, %reduce_sum3A [1] : vector<1024x1024xf32> to vector<1024xf32>
    %swap3A = arith.constant 0 : index
    %swap3A_10 = arith.constant 0 : index
    %swap3A_11 = arith.constant 0 : index
    %swap3A_12 = arith.constant 0 : index
    %swap3A_13 = vector.load %arg4[%swap3A, %swap3A_10, %swap3A_11, %swap3A_12] : memref<1x1x1x1024xf32, #tpu.memory_space<vmem>>, vector<1x1x1x1024xf32>
    %swap3A_14 = vector.shape_cast %swap3A_13 : vector<1x1x1x1024xf32> to vector<1024xf32>
    %swap3A_15 = vector.shape_cast %reduce_sum3A_9 : vector<1024xf32> to vector<1x1x1x1024xf32>
    tpu.vector_store %arg4[%swap3A, %swap3A_10, %swap3A_11, %swap3A_12], %swap3A_15 {strides = array<i32>} : memref<1x1x1x1024xf32, #tpu.memory_space<vmem>>, vector<1x1x1x1024xf32>,
    %bitcast_convert_type3A = tpu.bitcast %reduce_sum3A_9 : vector<1024xf32> -> vector<1024xi32>
    %ge3A = arith.constant 0 : i32
    %ge3A_16 = vector.broadcast %ge3A : i32 to vector<1024xi32>
    %ge3A_17 = arith.cmpi sge, %bitcast_convert_type3A, %ge3A_16 : vector<1024xi32>
    %xor3A = arith.constant 2147483647 : i32
    %xor3A_18 = vector.broadcast %xor3A : i32 to vector<1024xi32>
    %xor3A_19 = arith.xori %bitcast_convert_type3A, %xor3A_18 : vector<1024xi32>
    %select_n3A = arith.select %ge3A_17, %bitcast_convert_type3A, %xor3A_19 : vector<1024xi1>, vector<1024xi32>
    %xor3A_20 = arith.constant -2147483648 : i32
    %xor3A_21 = vector.broadcast %xor3A_20 : i32 to vector<1024xi32>
    %xor3A_22 = arith.xori %select_n3A, %xor3A_21 : vector<1024xi32>
    %swap3A_23 = arith.constant 0 : index
    %swap3A_24 = arith.constant 0 : index
    %swap3A_25 = arith.constant 0 : index
    %swap3A_26 = arith.constant 0 : index
    %swap3A_27 = vector.load %arg5[%swap3A_23, %swap3A_24, %swap3A_25, %swap3A_26] : memref<1x1x1x1024xi32, #tpu.memory_space<vmem>>, vector<1x1x1x1024xi32>
    %swap3A_28 = vector.shape_cast %swap3A_27 : vector<1x1x1x1024xi32> to vector<1024xi32>
    %swap3A_29 = vector.shape_cast %xor3A_22 : vector<1024xi32> to vector<1x1x1x1024xi32>
    tpu.vector_store %arg5[%swap3A_23, %swap3A_24, %swap3A_25, %swap3A_26], %swap3A_29 {strides = array<i32>} : memref<1x1x1x1024xi32, #tpu.memory_space<vmem>>, vector<1x1x1x1024xi32>,
    %reduce_max3A = vector.shape_cast %reduce_sum3A_9 : vector<1024xf32> to vector<1x1024xf32>
    %reduce_max3A_30 = arith.constant dense<0xFF800000> : vector<1xf32>
    %reduce_max3A_31 = vector.multi_reduction <maximumf>, %reduce_max3A, %reduce_max3A_30 [1] : vector<1x1024xf32> to vector<1xf32>
    %reduce_max3A_32 = vector.shape_cast %reduce_max3A_31 : vector<1xf32> to vector<1x1xf32>
    %reduce_max3A_33 = vector.extract %reduce_max3A_32[0, 0] : f32 from vector<1x1xf32>
    %broadcast_in_dim3A_34 = vector.broadcast %reduce_max3A_33 : f32 to vector<16xf32>
    %swap3A_35 = arith.constant 0 : index
    %swap3A_36 = arith.constant 0 : index
    %swap3A_37 = arith.constant 0 : index
    %swap3A_38 = arith.constant 0 : index
    %swap3A_39 = vector.load %arg6[%swap3A_35, %swap3A_36, %swap3A_37, %swap3A_38] : memref<1x1x1x16xf32, #tpu.memory_space<vmem>>, vector<1x1x1x16xf32>
    %swap3A_40 = vector.shape_cast %swap3A_39 : vector<1x1x1x16xf32> to vector<16xf32>
    %swap3A_41 = vector.shape_cast %broadcast_in_dim3A_34 : vector<16xf32> to vector<1x1x1x16xf32>
    tpu.vector_store %arg6[%swap3A_35, %swap3A_36, %swap3A_37, %swap3A_38], %swap3A_41 {strides = array<i32>} : memref<1x1x1x16xf32, #tpu.memory_space<vmem>>, vector<1x1x1x16xf32>,
    return
  }
  func.func @transform_0(%arg0: i32, %arg1: i32) -> (i32, i32, i32) {
    %c0_i32 = arith.constant 0 : i32
    %c0_i32_0 = arith.constant 0 : i32
    return %arg0, %arg1, %c0_i32 : i32, i32, i32
  }
  func.func @transform_1(%arg0: i32, %arg1: i32) -> (i32, i32) {
    %c0_i32 = arith.constant 0 : i32
    %c0_i32_0 = arith.constant 0 : i32
    %c0_i32_1 = arith.constant 0 : i32
    return %c0_i32, %c0_i32_0 : i32, i32
  }
  func.func @transform_2(%arg0: i32, %arg1: i32) -> (i32, i32, i32, i32) {
    %c0_i32 = arith.constant 0 : i32
    %c0_i32_0 = arith.constant 0 : i32
    %c0_i32_1 = arith.constant 0 : i32
    return %arg0, %arg1, %c0_i32, %c0_i32_0 : i32, i32, i32, i32
  }
  func.func @transform_3(%arg0: i32, %arg1: i32) -> (i32, i32, i32, i32) {
    %c0_i32 = arith.constant 0 : i32
    %c0_i32_0 = arith.constant 0 : i32
    %c0_i32_1 = arith.constant 0 : i32
    return %arg0, %arg1, %c0_i32, %c0_i32_0 : i32, i32, i32, i32
  }
  func.func @transform_4(%arg0: i32, %arg1: i32) -> (i32, i32, i32, i32) {
    %c0_i32 = arith.constant 0 : i32
    %c0_i32_0 = arith.constant 0 : i32
    %c0_i32_1 = arith.constant 0 : i32
    return %arg0, %arg1, %c0_i32, %c0_i32_0 : i32, i32, i32, i32
  }
}

module attributes {stable_mosaic.version = 14 : i64} {
  func.func @_block_kernel(%arg0: i32, %arg1: i32, %arg2: memref<1x1024x1024xf32, #tpu.memory_space<vmem>>, %arg3: memref<1x1x1x1024xf32, #tpu.memory_space<vmem>>, %arg4: memref<1x1x1x16xf32, #tpu.memory_space<vmem>>, %arg5: memref<1024x1024xbf16, #tpu.memory_space<vmem>>, %arg6: memref<1x1024x1024xf32, #tpu.memory_space<vmem>>) attributes {dimension_semantics = [#tpu.dimension_semantics<parallel>, #tpu.dimension_semantics<parallel>], iteration_bounds = array<i64: 4, 8>, scalar_prefetch = 0 : i64, scratch_operands = 0 : i64, tpu.core_type = #tpu.core_type<tc>, window_params = [{transform_indices = @transform_0, window_bounds = array<i64: 1, 1024, 1024>}, {transform_indices = @transform_1, window_bounds = array<i64: 1, 1, 1, 1024>}, {transform_indices = @transform_2, window_bounds = array<i64: 1, 1, 1, 16>}, {pipeline_mode = #tpu.pipeline_mode<synchronous>, transform_indices = @transform_3, window_bounds = array<i64: 1024, 1024>}, {transform_indices = @transform_4, window_bounds = array<i64: 1, 1024, 1024>}]} {
    %get3A = arith.constant 0 : index
    %get3A_0 = arith.constant 0 : index
    %get3A_1 = arith.constant 0 : index
    %get3A_2 = vector.load %arg2[%get3A, %get3A_0, %get3A_1] : memref<1x1024x1024xf32, #tpu.memory_space<vmem>>, vector<1x1024x1024xf32>
    %get3A_3 = vector.shape_cast %get3A_2 : vector<1x1024x1024xf32> to vector<1024x1024xf32>
    %get3A_4 = arith.constant 0 : index
    %get3A_5 = arith.constant 0 : index
    %get3A_6 = arith.constant 0 : index
    %get3A_7 = arith.constant 0 : index
    %get3A_8 = vector.load %arg4[%get3A_4, %get3A_5, %get3A_6, %get3A_7] : memref<1x1x1x16xf32, #tpu.memory_space<vmem>>, vector<1x1x1x16xf32>
    %get3A_9 = vector.shape_cast %get3A_8 : vector<1x1x1x16xf32> to vector<16xf32>
    %reduce_sum3A = vector.shape_cast %get3A_9 : vector<16xf32> to vector<1x16xf32>
    %reduce_sum3A_10 = arith.constant dense<0.000000e+00> : vector<1xf32>
    %reduce_sum3A_11 = vector.multi_reduction <add>, %reduce_sum3A, %reduce_sum3A_10 [1] : vector<1x16xf32> to vector<1xf32>
    %reduce_sum3A_12 = vector.shape_cast %reduce_sum3A_11 : vector<1xf32> to vector<1x1xf32>
    %reduce_sum3A_13 = vector.extract %reduce_sum3A_12[0, 0] : f32 from vector<1x1xf32>
    %div3A = arith.constant 1.000000e+00 : f32
    %div3A_14 = arith.divf %div3A, %reduce_sum3A_13 : f32
    %get3A_15 = arith.constant 0 : index
    %get3A_16 = arith.constant 0 : index
    %get3A_17 = arith.constant 0 : index
    %get3A_18 = arith.constant 0 : index
    %get3A_19 = vector.load %arg3[%get3A_15, %get3A_16, %get3A_17, %get3A_18] : memref<1x1x1x1024xf32, #tpu.memory_space<vmem>>, vector<1x1x1x1024xf32>
    %get3A_20 = vector.shape_cast %get3A_19 : vector<1x1x1x1024xf32> to vector<1024xf32>
    %mul3A = vector.broadcast %div3A_14 : f32 to vector<1024xf32>
    %mul3A_21 = arith.mulf %get3A_20, %mul3A : vector<1024xf32>
    %broadcast_in_dim3A = vector.shape_cast %mul3A_21 : vector<1024xf32> to vector<1024x1xf32>
    %mul3A_22 = vector.broadcast %broadcast_in_dim3A : vector<1024x1xf32> to vector<1024x1024xf32>
    %mul3A_23 = arith.mulf %get3A_3, %mul3A_22 : vector<1024x1024xf32>
    %convert_element_type3A = arith.truncf %mul3A_23 : vector<1024x1024xf32> to vector<1024x1024xbf16>
    %get3A_24 = arith.constant 0 : index
    %get3A_25 = arith.constant 0 : index
    %get3A_26 = vector.load %arg5[%get3A_24, %get3A_25] : memref<1024x1024xbf16, #tpu.memory_space<vmem>>, vector<1024x1024xbf16>
    %dot_general3A = arith.constant dense<0.000000e+00> : vector<1024x1024xf32>
    %dot_general3A_27 = tpu.matmul %convert_element_type3A, %get3A_26, %dot_general3A {dimension_numbers = #tpu.dot_dimension_numbers<[1], [1], [0], [0], [0, 0, 1, 0], [], []>, transpose_lhs_hint = false} : vector<1024x1024xbf16>, vector<1024x1024xbf16>, vector<1024x1024xf32> -> vector<1024x1024xf32>
    %add3A = arith.addf %get3A_3, %dot_general3A_27 : vector<1024x1024xf32>
    %swap3A = arith.constant 0 : index
    %swap3A_28 = arith.constant 0 : index
    %swap3A_29 = arith.constant 0 : index
    %swap3A_30 = vector.load %arg6[%swap3A, %swap3A_28, %swap3A_29] : memref<1x1024x1024xf32, #tpu.memory_space<vmem>>, vector<1x1024x1024xf32>
    %swap3A_31 = vector.shape_cast %swap3A_30 : vector<1x1024x1024xf32> to vector<1024x1024xf32>
    %swap3A_32 = vector.shape_cast %add3A : vector<1024x1024xf32> to vector<1x1024x1024xf32>
    tpu.vector_store %arg6[%swap3A, %swap3A_28, %swap3A_29], %swap3A_32 {strides = array<i32>} : memref<1x1024x1024xf32, #tpu.memory_space<vmem>>, vector<1x1024x1024xf32>,
    return
  }
  func.func @transform_0(%arg0: i32, %arg1: i32) -> (i32, i32, i32) {
    %c0_i32 = arith.constant 0 : i32
    %c0_i32_0 = arith.constant 0 : i32
    return %arg0, %arg1, %c0_i32 : i32, i32, i32
  }
  func.func @transform_1(%arg0: i32, %arg1: i32) -> (i32, i32, i32, i32) {
    %c0_i32 = arith.constant 0 : i32
    %c0_i32_0 = arith.constant 0 : i32
    %c0_i32_1 = arith.constant 0 : i32
    return %arg0, %arg1, %c0_i32, %c0_i32_0 : i32, i32, i32, i32
  }
  func.func @transform_2(%arg0: i32, %arg1: i32) -> (i32, i32, i32, i32) {
    %c0_i32 = arith.constant 0 : i32
    %c0_i32_0 = arith.constant 0 : i32
    %c0_i32_1 = arith.constant 0 : i32
    %c0_i32_2 = arith.constant 0 : i32
    return %arg0, %c0_i32, %c0_i32_0, %c0_i32_1 : i32, i32, i32, i32
  }
  func.func @transform_3(%arg0: i32, %arg1: i32) -> (i32, i32) {
    %c0_i32 = arith.constant 0 : i32
    %c0_i32_0 = arith.constant 0 : i32
    %c0_i32_1 = arith.constant 0 : i32
    return %c0_i32, %c0_i32_0 : i32, i32
  }
  func.func @transform_4(%arg0: i32, %arg1: i32) -> (i32, i32, i32) {
    %c0_i32 = arith.constant 0 : i32
    %c0_i32_0 = arith.constant 0 : i32
    return %arg0, %arg1, %c0_i32 : i32, i32, i32
  }
}

</mosaic_0001>

<sc_bundles>
// kernel: kernel.5.cloned.1.call-start
scs
__scs_entry_jumppad:
0x0: {  	(pc) =	sbr.rel $0x88, $3  }
0x1: {  	(tag) =	ssettag $0x0;
	lr =	simm.s32 $0x1  }
0x2: {  	[smem:$0x3F9E] =	sst lr;
	_ =	strace $0xD0000000  }
0x3: {  	_ = 	snop  }
0x4: {  	_ = 	snop  }
0x5: {  	_ = 	snop  }
0x6: {  	_ = 	snop  }
0x7: {  	_ = 	snop  }
__scs_overlays_trampoline_lowered:
0x8: {  	[smem:$0x3FAD] =	sst s0  }
0x9: {  	[smem:$0x3FAE] =	sst s1  }
0xa: {  	[smem:$0x3FAF] =	sst s2  }
0xb: {  	[smem:$0x3FB0] =	sst s3  }
0xc: {  	[smem:$0x3FB1] =	sst s4  }
0xd: {  	[smem:$0x3FB2] =	sst s5  }
0xe: {  	[smem:$0x3FB3] =	sst s6  }
0xf: {  	[smem:$0x3FB4] =	sst s7  }
0x10: {  	[smem:$0x3FB5] =	sst s8  }
0x11: {  	[smem:$0x3FB6] =	sst s9;
	s0 =	simm.s32 @!p0 $0x0  }
0x12: {  	s1 =	sld [smem:$0x3F9C];
	s0 =	simm.s32 @p0 $0x1  }
0x13: {  	[smem:$0x3FB7] =	sst s0;
	s0 =	simm.s32 @!p1 $0x0  }
0x14: {  	s2 =	sld [smem:$0x3F9B];
	s0 =	simm.s32 @p1 $0x1  }
0x15: {  	[smem:$0x3FB8] =	sst s0;
	s0 =	simm.s32 @!p2 $0x0  }
0x16: {  	s3 =	sld [smem:$0x3FDB];
	s0 =	simm.s32 @p2 $0x1  }
0x17: {  	s4 =	simm.s32 $0x1BF5;
	[smem:$0x3FBA] =	sst s0  }
0x18: {  	s0 =	sld [smem:$0x3F9D];
	_ =	swait.ge [sflag:s4], $0x0  }
0x19: {  	s7 =	sld [smem:$0x3F9E]  }
0x1a: {  	s8 =	sadd.s32 $0xFFFFE003, lr  }
0x1b: {  	s9 =	sadd.s32 $0xFFFFFEF7, lr;
	s5 =	simm.s32 $0xFFFFFFFF;
	p2 =	slt.u32 s8, $0xFFFFF086  }
0x1c: {  	p1 =	slt.u32 s9, $0xF7A;
	s5 =	simm.s32 @!p2 $0x0  }
0x1d: {  	s5 =	simm.s32 @p1 $0x1;
	p0 =	seq.s32 s7, s2  }
0x1e: {  	s7 =	smul.u32 @!p0 $0xF7A, s2;
	p2 =	seq.s32 @!p0 s5, $0x0  }
0x1f: {  	s9 =	smul.u32 $0xF7A, s1;
	s8 =	simm.s32 @!p0 $0x1BF5;
	p2 =	por !p2, p0  }
0x20: {  	[sflag:s8] =	ssyncset.s32 @!p0 $0xFFFFF086;
	s6 =	sadd.s32 @!p0 s3, s7;
	s7 =	simm.s32 @!p0 $0x108  }
0x21: {  	s3 =	sadd.s32 s3, s9;
	s6 =	sadd.s32 @!p0 $0x88, s6;
	s7 =	simm.s32 @p2 $0x1082  }
0x22: {  	[simem:s7], [sflag:s8] =	dma.local @!p0 [hbm:s6], $0xF7A  }
0x23: {  	s9 =	sor.u32 $0xD0000000, s2;
	s6 =	simm.s32 $0x108;
	_ =	swait.ge @!p0 [sflag:s8], $0x0  }
0x24: {  	s3 =	sadd.s32 $0x88, s3;
	s6 =	simm.s32 @!p1 $0x1082;
	[sflag:s4] =	ssyncset.s32 $0xFFFFF086  }
0x25: {  	[simem:s6], [sflag:s4] =	dma.local [hbm:s3], $0xF7A  }
0x26: {  	[smem:$0x3F9E] =	sst s1;
	(tag) =	ssettag s2;
	_ =	strace s9  }
0x27: {  	s1 =	sld [smem:$0x3FAE]  }
0x28: {  	s2 =	sld [smem:$0x3FAF]  }
0x29: {  	s4 =	sld [smem:$0x3FB1]  }
0x2a: {  	p0 =	seq.s32 s5, $0x0;
	s5 =	sld [smem:$0x3FB2]  }
0x2b: {  	s6 =	sld [smem:$0x3FB3]  }
0x2c: {  	s7 =	sld [smem:$0x3FB4]  }
0x2d: {  	s3 =	simm.s32 $0x108;
	s8 =	sld [smem:$0x3FB5]  }
0x2e: {  	s3 =	simm.s32 @!p0 $0x1082;
	s9 =	sld [smem:$0x3FB6]  }
0x2f: {  	lr =	sadd.s32 s0, s3;
	s0 =	sld [smem:$0x3FAD]  }
0x30: {  	s3 =	sld [smem:$0x3FB0]  }
0x31: {  	[smem:$0x3FB9] =	sst s10  }
0x32: {  	s10 =	sld [smem:$0x3FB7];
	_ =	sdelay $0x3  }
0x33: {  	p0 =	seq.s32 s10, $0x1;
	s10 =	sld [smem:$0x3FB9];
	_ =	sdelay $0x3  }
0x34: {  	[smem:$0x3FB9] =	sst s10  }
0x35: {  	s10 =	sld [smem:$0x3FB8];
	_ =	sdelay $0x3  }
0x36: {  	p1 =	seq.s32 s10, $0x1;
	s10 =	sld [smem:$0x3FB9];
	_ =	sdelay $0x3  }
0x37: {  	[smem:$0x3FB9] =	sst s10  }
0x38: {  	s10 =	sld [smem:$0x3FBA]  }
0x39: {  	_ = 	snop;
	(pc) =	sbr.ind lr, $3  }
0x3a: {  	_ = 	snop  }
0x3b: {  	_ = 	snop  }
0x3c: {  	p2 =	seq.s32 s10, $0x1;
	s10 =	sld [smem:$0x3FB9]  }
0x3d: {  	_ =	shalt  }
0x3e: {  	_ =	shalt  }
0x3f: {  	_ =	shalt  }
0x40: {  	_ =	shalt  }
0x41: {  	_ =	shalt  }
0x42: {  	_ =	shalt  }
0x43: {  	_ =	shalt  }
0x44: {  	_ =	shalt  }
0x45: {  	_ =	shalt  }
0x46: {  	_ =	shalt  }
0x47: {  	_ =	shalt  }
0x48: {  	_ =	shalt  }
0x49: {  	_ =	shalt  }
0x4a: {  	_ =	shalt  }
0x4b: {  	_ =	shalt  }
0x4c: {  	_ =	shalt  }
0x4d: {  	_ =	shalt  }
0x4e: {  	_ =	shalt  }
0x4f: {  	_ =	shalt  }
0x50: {  	_ =	shalt  }
0x51: {  	_ =	shalt  }
0x52: {  	_ =	shalt  }
0x53: {  	_ =	shalt  }
0x54: {  	_ =	shalt  }
0x55: {  	_ =	shalt  }
0x56: {  	_ =	shalt  }
0x57: {  	_ =	shalt  }
0x58: {  	_ =	shalt  }
0x59: {  	_ =	shalt  }
0x5a: {  	_ =	shalt  }
0x5b: {  	_ =	shalt  }
0x5c: {  	_ =	shalt  }
0x5d: {  	_ =	shalt  }
0x5e: {  	_ =	shalt  }
0x5f: {  	_ =	shalt  }
0x60: {  	_ =	shalt  }
0x61: {  	_ =	shalt  }
0x62: {  	_ =	shalt  }
0x63: {  	_ =	shalt  }
0x64: {  	_ =	shalt  }
0x65: {  	_ =	shalt  }
0x66: {  	_ =	shalt  }
0x67: {  	_ =	shalt  }
0x68: {  	_ =	shalt  }
0x69: {  	_ =	shalt  }
0x6a: {  	_ =	shalt  }
0x6b: {  	_ =	shalt  }
0x6c: {  	_ =	shalt  }
0x6d: {  	_ =	shalt  }
0x6e: {  	_ =	shalt  }
0x6f: {  	_ =	shalt  }
0x70: {  	_ =	shalt  }
0x71: {  	_ =	shalt  }
0x72: {  	_ =	shalt  }
0x73: {  	_ =	shalt  }
0x74: {  	_ =	shalt  }
0x75: {  	_ =	shalt  }
0x76: {  	_ =	shalt  }
0x77: {  	_ =	shalt  }
0x78: {  	_ =	shalt  }
0x79: {  	_ =	shalt  }
0x7a: {  	_ =	shalt  }
0x7b: {  	_ =	shalt  }
0x7c: {  	_ =	shalt  }
0x7d: {  	_ =	shalt  }
0x7e: {  	_ =	shalt  }
0x7f: {  	_ =	shalt  }
0x80: {  	_ =	shalt  }
0x81: {  	_ =	shalt  }
0x82: {  	_ =	shalt  }
0x83: {  	_ =	shalt  }
0x84: {  	_ =	shalt  }
0x85: {  	_ =	shalt  }
0x86: {  	_ =	shalt  }
0x87: {  	_ =	shalt  }
.Lfunc_end0:
.L_simem_size_0:
called_computation_lowered:
.L_overlay_start_0:
0x88: {  	s2 =	sld [smem:$0x3FD9]  }
0x89: {  	s3 =	sld [smem:$0x3FFE];
	_ =	sdelay $0x1  }
0x8a: {  	s1 =	srdreg.scid  }
0x8b: {  	s0 =	sand.u32 $0x1, s1  }
0x8c: {  	s17 =	sshll.u32 s0, $0xA;
	s2 =	sadd.s32 s3, s2  }
0x8d: {  	s2 =	sadd.s32 s2, s17  }
0x8e: {  	[smem:$0x3FC5] =	sst s2  }
0x8f: {  	_ = 	snop  }
0x90: {  	s2 =	sld [smem:$0x3FD0];
	(tm) =	ssettm $0x1  }
0x91: {  	s18 =	sld [smem:$0x3FFB];
	_ =	sdelay $0x3  }
0x92: {  	_ =	strace s18  }
0x93: {  	s3 =	sld [smem:$0x3FFC];
	_ =	sdelay $0x3  }
0x94: {  	_ =	strace s3  }
0x95: {  	s3 =	sld [smem:$0x3FFD];
	_ =	sdelay $0x3  }
0x96: {  	_ =	strace s3  }
0x97: {  	_ =	strace $0x8FFFFFFF  }
0x98: {  	s19 =	sld [smem:$0x3FDB];
	_ =	sdelay $0x1  }
0x99: {  	s4 =	simm.s32 $_scs_section_size  }
0x9a: {  	s5 =	simm.s32 $_size__tile_overlayer_lowered;
	s6 =	simm.s32 $_tile_overlayer_lowered  }
0x9b: {  	s22 =	simm.s32 $0x1BFF;
	s21 =	sshll.u32 s6, $0x1;
	s3 =	sadd.s32 s4, s19  }
0x9c: {  	s7 =	simm.s32 $0x0;
	s20 =	sshll.u32 s5, $0x1;
	s5 =	sadd.s32 s21, s3  }
0x9d: {  	[timem:s7], [sflag:s22] =	dma.local [hbm:s5], s20  }
0x9e: {  	_ =	swait.ge [sflag:s22], s20  }
0x9f: {  	s4 =	ssub.s32 $0x0, s20;
	[sflag:s22] =	ssyncset.done $0x0  }
0xa0: {  	[sflag:s22] =	ssyncadd.s32 s4;
	_ =	sdelay $0x1  }
0xa1: {  	s23 =	simm.s32 $0x1B8B  }
0xa2: {  	_ =	swait.ge [sflag:s23], $0x1  }
0xa3: {  	[sflag:s23] =	ssyncset.done $0x0  }
0xa4: {  	s25 =	simm.s32 $0x1B8E;
	s24 =	sld [smem:$0x3FFE];
	[sflag:s23] =	ssyncadd.s32 $0xFFFFFFFF  }
0xa5: {  	s26 =	simm.s32 $execute0_lowered;
	[smem:$0x3FD2] =	sst s25  }
0xa6: {  	s5 =	sshll.u32 s26, $0x1;
	_ =	strace $0x80000046;
	[dreg:$0x1] =	wrdreg $0xFFFFFFFF  }
0xa7: {  	s28 =	simm.s32 $_size_execute0_lowered;
	s3 =	sadd.s32 s3, s5;
	[dreg:$0x0] =	wrdreg $0x0  }
0xa8: {  	s5 =	sshll.u32 s28, $0x1;
	[dreg:$0x2] =	wrdreg s3  }
0xa9: {  	[dreg:$0x3] =	wrdreg s5  }
0xaa: {  	[dreg:$0x4] =	wrdreg $0xC0  }
0xab: {  	_ =	task [dreg:s7], $0x5FFFF  }
0xac: {  	[dreg:$0x1] =	wrdreg $0xFFFFFFFF  }
0xad: {  	[dreg:$0x0] =	wrdreg $0x60  }
0xae: {  	[dreg:$0x2] =	wrdreg s2  }
0xaf: {  	[dreg:$0x3] =	wrdreg s24  }
0xb0: {  	[dreg:$0x4] =	wrdreg $0x9  }
0xb1: {  	_ =	task.clear_ibuf [dreg:s7], $0x5FFFF;
	_ =	strace $0x90000046  }
0xb2: {  	s29 =	simm.s32 $0x9;
	_ =	strace $0x80000048  }
0xb3: {  	_ =	swait.ge [sflag:s29], $0x1  }
0xb4: {  	[sflag:s29] =	ssyncadd.s32 $0xFFFFFFFF  }
0xb5: {  	_ =	strace $0x90000048  }
0xb6: {  	_ =	sfence  }
0xb7: {  	s30 =	sld [smem:$0x0];
	_ =	sdelay $0x2  }
0xb8: {  	s31 =	sshll.u32 s1, $0xD;
	s1 =	sshrl.u32 s1, $0x2  }
0xb9: {  	s3 =	sand.u32 $0x4000, s31;
	s1 =	sadd.s32 s1, s30  }
0xba: {  	s0 =	sor.u32 s3, s0;
	s1 =	sshll.u32 s1, $0x11  }
0xbb: {  	s0 =	sor.u32 s1, s0  }
0xbc: {  	s0 =	sadd.s32 $0x8F2B, s0  }
0xbd: {  	[sflag:s0] =	ssyncadd.remote.s32 $0x1  }
0xbe: {  	_ =	sfence.sel $0xFFFF  }
0xbf: {  	[dreg:$0x0] =	wrdreg $0xFFFFFFFF;
	(pc) =	sbr.abs _section_cstart, $3  }
0xc0: {  	[dreg:$0x1] =	wrdreg $0xFFFFFFFF  }
0xc1: {  	_ =	task.clear_ibuf [dreg:s7], $0x2FFFF;
	_ =	strace $0x9FFFFFFF  }
0xc2: {  	(tm) =	ssettm $0x7FFFFFFF  }
0xc3: {  	_ =	shalt  }
tec
execute0_lowered:
.L_overlay_start_1:
0x0: {  	(tag) =	ssettag $0x1  }
0x1: {  	s1 =	stileid.u32  }
0x2: {  	p0 =	sgt.u32 s1, $0x1  }
.Ltmp0:
0x3: {  	_ = 	snop;
	(pc) =	sbr.rel @p0 .LBB2_13-.Ltmp0, $4  }
0x4: {  	s7 =	rddreg [dreg:$0x0]  }
0x5: {  	s3 =	rddreg [dreg:$0x1];
	s2 =	simm.s32 $0x0  }
0x6: {  	[smem:$0x7FF] =	sst s2  }
0x7: {  	s0 =	rddreg [dreg:$0x2];
	_ =	strace $0x80000047  }
0x8: {  	s4 =	srdreg.scid;
	s5 =	sshll.u32 s1, $0x5  }
0x9: {  	s10 =	simm.s32 $0x200;
	s11 =	simm.s32 $0x1;
	s12 =	simm.s32 $0x2000  }
0xa: {  	s13 =	simm.s32 $0x6180;
	s14 =	simm.s32 $0x6000;
	s4 =	sand.u32 $0x1, s4  }
0xb: {  	s15 =	simm.s32 $0x4000;
	s6 =	sshll.u32 s4, $0x4;
	s31 =	ssub.s32 $0x2, s4  }
0xc: {  	s16 =	simm.s32 $0x6200;
	s8 =	sor.u32 s6, s5;
	s9 =	sshrl.u32 s31, $0x1  }
0xd: {  	s17 =	simm.s32 $0x0;
	s3 =	sadd.s32 s3, s8;
	s9 =	ssub.s32 s31, s9  }
0xe: {  	s7 =	sadd.s32 s7, s8;
	s4 =	sadd.s32 $0x200, s3;
	s5 =	sadd.s32 $0x1200, s3  }
0xf: {  	v0 =	vimm.s32 $0x0;
	v1 =	vimm.s32 $0x1;
	s6 =	sadd.s32 $0x2200, s3;
	s8 =	smax.u32 s9, $0x1;
	s9 =	simm.s32 $0x80  }
.LBB2_2:
0x10: {  	s19 =	simm.s32 $0x0  }
0x11: {  	[tilespmem:s19], [sflag:$0x1] =	stream.strided.gather [hbm4b:s7+s9], $0x2000, s10, s9, $0x38;
	[tilespmem:$0x6280] =	vst v63  }
0x12: {  	_ =	swait.ge [sflag:s11], $0x2000  }
0x13: {  	[sflag:s11] =	ssyncset.done $0x0  }
0x14: {  	[sflag:s11] =	ssyncadd.s32 $0xFFFFE000  }
0x15: {  	[tilespmem:s12], [sflag:$0x1] =	stream.strided.gather [hbm4b:s4+s9], $0x2000, s10, s9, $0x38;
	[tilespmem:$0x6280] =	vst v63  }
0x16: {  	_ =	swait.ge [sflag:s11], $0x2000  }
0x17: {  	[sflag:s11] =	ssyncset.done $0x0  }
0x18: {  	[sflag:s11] =	ssyncadd.s32 $0xFFFFE000  }
0x19: {  	[tilespmem:s13], [sflag:$0x1] =	stream.linear.gather [hbm4b:s3+s19], $0x80, $0x38;
	[tilespmem:$0x6280] =	vst v63  }
0x1a: {  	_ =	swait.ge [sflag:s11], $0x80  }
0x1b: {  	[sflag:s11] =	ssyncset.done $0x0  }
0x1c: {  	[sflag:s11] =	ssyncadd.s32 $0xFFFFFF80  }
0x1d: {  	[tilespmem:$0x6000] =	vst v0  }
0x1e: {  	[tilespmem:$0x6010] =	vst v0  }
0x1f: {  	[tilespmem:$0x6020] =	vst v0  }
0x20: {  	[tilespmem:$0x6030] =	vst v0  }
0x21: {  	[tilespmem:$0x6040] =	vst v0  }
0x22: {  	[tilespmem:$0x6050] =	vst v0  }
0x23: {  	[tilespmem:$0x6060] =	vst v0  }
0x24: {  	[tilespmem:$0x6070] =	vst v0  }
0x25: {  	[tilespmem:$0x6080] =	vst v0  }
0x26: {  	[tilespmem:$0x6090] =	vst v0  }
0x27: {  	[tilespmem:$0x60A0] =	vst v0  }
0x28: {  	[tilespmem:$0x60B0] =	vst v0  }
0x29: {  	[tilespmem:$0x60C0] =	vst v0  }
0x2a: {  	[tilespmem:$0x60D0] =	vst v0  }
0x2b: {  	[tilespmem:$0x60E0] =	vst v0  }
0x2c: {  	[tilespmem:$0x60F0] =	vst v0  }
0x2d: {  	v2 =	vld [tilespmem:$0x6180];
	[tilespmem:$0x6100] =	vst v0  }
0x2e: {  	v3 =	vld [tilespmem:$0x6190];
	[tilespmem:$0x6110] =	vst v0  }
0x2f: {  	v4 =	vld [tilespmem:$0x61A0];
	[tilespmem:$0x6120] =	vst v0  }
0x30: {  	v5 =	vld [tilespmem:$0x61B0];
	[tilespmem:$0x6130] =	vst v0  }
0x31: {  	v6 =	vld [tilespmem:$0x61C0];
	[tilespmem:$0x6140] =	vst v0  }
0x32: {  	v7 =	vld [tilespmem:$0x61D0];
	[tilespmem:$0x6150] =	vst v0  }
0x33: {  	v8 =	vld [tilespmem:$0x61E0];
	[tilespmem:$0x6160] =	vst v0  }
0x34: {  	s18 =	simm.s32 $0x0;
	v9 =	vld [tilespmem:$0x61F0];
	[tilespmem:$0x6170] =	vst v0  }
.LBB2_3:
0x35: {  	s20 =	sshra.s32 s18, $0x2  }
0x36: {  	v10 =	vld [tilespmem:s20+$0x2000];
	_ =	sdelay $0x4  }
0x37: {  	v10 =	vshrl.u32 v10, $0x18;
	_ =	sdelay $0x4  }
0x38: {  	[tilespmem:v10+s14+$0x0] =	vst.idx.add.s32.msk $0xffff, v1  }
0x39: {  	v10 =	vld [tilespmem:s20+$0x2010];
	_ =	sdelay $0x4  }
0x3a: {  	v10 =	vshrl.u32 v10, $0x18;
	_ =	sdelay $0x4  }
0x3b: {  	[tilespmem:v10+s14+$0x0] =	vst.idx.add.s32.msk $0xffff, v1  }
0x3c: {  	v10 =	vld [tilespmem:s20+$0x2020];
	_ =	sdelay $0x4  }
0x3d: {  	v10 =	vshrl.u32 v10, $0x18;
	_ =	sdelay $0x4  }
0x3e: {  	[tilespmem:v10+s14+$0x0] =	vst.idx.add.s32.msk $0xffff, v1  }
0x3f: {  	v10 =	vld [tilespmem:s20+$0x2030];
	_ =	sdelay $0x4  }
0x40: {  	v10 =	vshrl.u32 v10, $0x18;
	_ =	sdelay $0x4  }
0x41: {  	[tilespmem:v10+s14+$0x0] =	vst.idx.add.s32.msk $0xffff, v1  }
0x42: {  	v10 =	vld [tilespmem:s20+$0x2040];
	_ =	sdelay $0x4  }
0x43: {  	v10 =	vshrl.u32 v10, $0x18;
	_ =	sdelay $0x4  }
0x44: {  	[tilespmem:v10+s14+$0x0] =	vst.idx.add.s32.msk $0xffff, v1  }
0x45: {  	v10 =	vld [tilespmem:s20+$0x2050];
	_ =	sdelay $0x4  }
0x46: {  	v10 =	vshrl.u32 v10, $0x18;
	_ =	sdelay $0x4  }
0x47: {  	[tilespmem:v10+s14+$0x0] =	vst.idx.add.s32.msk $0xffff, v1  }
0x48: {  	v10 =	vld [tilespmem:s20+$0x2060];
	_ =	sdelay $0x4  }
0x49: {  	v10 =	vshrl.u32 v10, $0x18;
	_ =	sdelay $0x4  }
0x4a: {  	[tilespmem:v10+s14+$0x0] =	vst.idx.add.s32.msk $0xffff, v1  }
0x4b: {  	v10 =	vld [tilespmem:s20+$0x2070];
	_ =	sdelay $0x4  }
0x4c: {  	p0 =	sne.s32 s18, $0x7E00;
	v10 =	vshrl.u32 v10, $0x18  }
.Ltmp1:
0x4d: {  	_ = 	snop;
	(pc) =	sbr.rel @p0 .LBB2_3-.Ltmp1, $2  }
0x4e: {  	_ =	sdelay $0x2  }
0x4f: {  	s18 =	sadd.s32 $0x200, s18;
	[tilespmem:v10+s14+$0x0] =	vst.idx.add.s32.msk $0xffff, v1  }
0x50: {  	s20 =	simm.s32 $0x100;
	s22 =	simm.s32 $0x60FF;
	s18 =	simm.s32 $0x0  }
.LBB2_5:
0x51: {  	v10 =	vld [tilespmem:s22+$0x0];
	_ =	sdelay $0x4  }
0x52: {  	(v2sf) =	vpush v10, $0x0;
	_ =	sdelay $0xe  }
0x53: {  	s21 =	smov.u32 s19;
	s31 =	spop (v2sf)  }
0x54: {  	s19 =	sadd.s32 s21, s31  }
0x55: {  	p0 =	slt.s32 s19, $0x1000  }
.Ltmp2:
0x56: {  	_ = 	snop;
	(pc) =	sbr.rel @p0 .LBB2_5-.Ltmp2, $2  }
0x57: {  	_ =	sdelay $0x2  }
0x58: {  	s20 =	sadd.s32 $0xFFFFFFFF, s20;
	s18 =	sadd.s32 $0xFF000000, s18;
	s22 =	sadd.s32 $0xFFFFFFFF, s22  }
0x59: {  	[tilespmem:$0x6000] =	vst v0  }
0x5a: {  	[tilespmem:$0x6010] =	vst v0  }
0x5b: {  	[tilespmem:$0x6020] =	vst v0  }
0x5c: {  	[tilespmem:$0x6030] =	vst v0  }
0x5d: {  	[tilespmem:$0x6040] =	vst v0  }
0x5e: {  	[tilespmem:$0x6050] =	vst v0  }
0x5f: {  	[tilespmem:$0x6060] =	vst v0  }
0x60: {  	[tilespmem:$0x6070] =	vst v0  }
0x61: {  	[tilespmem:$0x6080] =	vst v0  }
0x62: {  	[tilespmem:$0x6090] =	vst v0  }
0x63: {  	[tilespmem:$0x60A0] =	vst v0  }
0x64: {  	[tilespmem:$0x60B0] =	vst v0  }
0x65: {  	[tilespmem:$0x60C0] =	vst v0  }
0x66: {  	[tilespmem:$0x60D0] =	vst v0  }
0x67: {  	[tilespmem:$0x60E0] =	vst v0  }
0x68: {  	[tilespmem:$0x60F0] =	vst v0  }
0x69: {  	[tilespmem:$0x6100] =	vst v0  }
0x6a: {  	[tilespmem:$0x6110] =	vst v0  }
0x6b: {  	[tilespmem:$0x6120] =	vst v0  }
0x6c: {  	[tilespmem:$0x6130] =	vst v0  }
0x6d: {  	[tilespmem:$0x6140] =	vst v0  }
0x6e: {  	[tilespmem:$0x6150] =	vst v0  }
0x6f: {  	[tilespmem:$0x6160] =	vst v0  }
0x70: {  	s19 =	ssub.s32 $0x1000, s21;
	[tilespmem:$0x6170] =	vst v0;
	v10 =	vmov s20;
	s20 =	simm.s32 $0x0;
	s21 =	simm.s32 $0x0  }
.LBB2_7:
0x71: {  	s22 =	sshra.s32 s21, $0x2  }
0x72: {  	v11 =	vld [tilespmem:s22+$0x2000];
	_ =	sdelay $0x4  }
0x73: {  	v12 =	vshrl.u32 v11, $0x18  }
0x74: {  	v11 =	vshrl.u32 v11, $0x10;
	vm0 =	veq.s32 v12, v10  }
0x75: {  	v11 =	vand.u32 $0xFF, v11;
	_ =	sdelay $0x4  }
0x76: {  	[tilespmem:v11+s14+$0x0] =	vst.idx.add.s32.msk vm0, v1  }
0x77: {  	v11 =	vld [tilespmem:s22+$0x2010];
	_ =	sdelay $0x4  }
0x78: {  	v57 =	vshrl.u32 v11, $0x18  }
0x79: {  	v11 =	vshrl.u32 v11, $0x10;
	vm9 =	veq.s32 v57, v10  }
0x7a: {  	v11 =	vand.u32 $0xFF, v11;
	_ =	sdelay $0x4  }
0x7b: {  	[tilespmem:v11+s14+$0x0] =	vst.idx.add.s32.msk vm9, v1  }
0x7c: {  	v11 =	vld [tilespmem:s22+$0x2020];
	_ =	sdelay $0x4  }
0x7d: {  	v58 =	vshrl.u32 v11, $0x18  }
0x7e: {  	v11 =	vshrl.u32 v11, $0x10;
	vm10 =	veq.s32 v58, v10  }
0x7f: {  	v11 =	vand.u32 $0xFF, v11;
	_ =	sdelay $0x4  }
0x80: {  	[tilespmem:v11+s14+$0x0] =	vst.idx.add.s32.msk vm10, v1  }
0x81: {  	v11 =	vld [tilespmem:s22+$0x2030];
	_ =	sdelay $0x4  }
0x82: {  	v59 =	vshrl.u32 v11, $0x18  }
0x83: {  	v11 =	vshrl.u32 v11, $0x10;
	vm11 =	veq.s32 v59, v10  }
0x84: {  	v11 =	vand.u32 $0xFF, v11;
	_ =	sdelay $0x4  }
0x85: {  	[tilespmem:v11+s14+$0x0] =	vst.idx.add.s32.msk vm11, v1  }
0x86: {  	v11 =	vld [tilespmem:s22+$0x2040];
	_ =	sdelay $0x4  }
0x87: {  	v60 =	vshrl.u32 v11, $0x18  }
0x88: {  	v11 =	vshrl.u32 v11, $0x10;
	vm12 =	veq.s32 v60, v10  }
0x89: {  	v11 =	vand.u32 $0xFF, v11;
	_ =	sdelay $0x4  }
0x8a: {  	[tilespmem:v11+s14+$0x0] =	vst.idx.add.s32.msk vm12, v1  }
0x8b: {  	v11 =	vld [tilespmem:s22+$0x2050];
	_ =	sdelay $0x4  }
0x8c: {  	v61 =	vshrl.u32 v11, $0x18  }
0x8d: {  	v11 =	vshrl.u32 v11, $0x10;
	vm13 =	veq.s32 v61, v10  }
0x8e: {  	v11 =	vand.u32 $0xFF, v11;
	_ =	sdelay $0x4  }
0x8f: {  	[tilespmem:v11+s14+$0x0] =	vst.idx.add.s32.msk vm13, v1  }
0x90: {  	v11 =	vld [tilespmem:s22+$0x2060];
	_ =	sdelay $0x4  }
0x91: {  	v62 =	vshrl.u32 v11, $0x18  }
0x92: {  	v11 =	vshrl.u32 v11, $0x10;
	vm14 =	veq.s32 v62, v10  }
0x93: {  	v11 =	vand.u32 $0xFF, v11;
	_ =	sdelay $0x4  }
0x94: {  	[tilespmem:v11+s14+$0x0] =	vst.idx.add.s32.msk vm14, v1  }
0x95: {  	v11 =	vld [tilespmem:s22+$0x2070];
	_ =	sdelay $0x4  }
0x96: {  	v63 =	vshrl.u32 v11, $0x18  }
0x97: {  	v11 =	vshrl.u32 v11, $0x10;
	vm15 =	veq.s32 v63, v10  }
0x98: {  	p0 =	sne.s32 s21, $0x7E00;
	v11 =	vand.u32 $0xFF, v11  }
.Ltmp3:
0x99: {  	_ = 	snop;
	(pc) =	sbr.rel @p0 .LBB2_7-.Ltmp3, $2  }
0x9a: {  	_ =	sdelay $0x2  }
0x9b: {  	s21 =	sadd.s32 $0x200, s21;
	[tilespmem:v11+s14+$0x0] =	vst.idx.add.s32.msk vm15, v1  }
0x9c: {  	s21 =	simm.s32 $0x60FF  }
0x9d: {  	v10 =	vld [tilespmem:s21+$0x0];
	_ =	sdelay $0x4  }
0x9e: {  	(v2sf) =	vpush v10, $0x0;
	_ =	sdelay $0xe  }
0x9f: {  	s31 =	spop (v2sf)  }
0xa0: {  	s22 =	sadd.s32 $0x0, s31  }
0xa1: {  	p0 =	slt.s32 s22, s19  }
.Ltmp4:
0xa2: {  	_ = 	snop;
	(pc) =	sbr.rel @!p0 .LBB2_10-.Ltmp4, $2  }
0xa3: {  	_ =	sdelay $0x2  }
0xa4: {  	s23 =	simm.s32 $0x60FE;
	s21 =	simm.s32 $0x1000000  }
.LBB2_9:
0xa5: {  	v10 =	vld [tilespmem:s23+$0x0];
	_ =	sdelay $0x4  }
0xa6: {  	s20 =	simm.s32 @p0 $0x0;
	s24 =	smov.u32 s22;
	(v2sf) =	vpush v10, $0x0  }
0xa7: {  	s21 =	sadd.s32 $0xFFFF0000, s21;
	s19 =	ssub.s32 s19, s20;
	_ =	sdelay $0xd  }
0xa8: {  	s20 =	spop (v2sf)  }
0xa9: {  	s22 =	sadd.s32 s22, s20  }
0xaa: {  	p0 =	slt.s32 s22, s19  }
.Ltmp5:
0xab: {  	_ = 	snop;
	(pc) =	sbr.rel @p0 .LBB2_9-.Ltmp5, $2  }
0xac: {  	_ =	sdelay $0x2  }
0xad: {  	s23 =	sadd.s32 $0xFFFFFFFF, s23;
	s20 =	smov.u32 s24  }
.LBB2_10:
0xae: {  	v2 =	vmax.f32 v2, v3  }
0xaf: {  	s19 =	simm.s32 $0x0;
	v2 =	vmax.f32 v2, v4  }
0xb0: {  	v4 =	vld [tilespmem:s19+$0x0];
	v2 =	vmax.f32 v2, v5  }
0xb1: {  	v2 =	vmax.f32 v2, v6  }
0xb2: {  	v5 =	vld [tilespmem:s19+$0x10];
	v2 =	vmax.f32 v2, v7  }
0xb3: {  	v2 =	vmax.f32 v2, v8  }
0xb4: {  	v3 =	vmax.f32 v2, v9;
	v2 =	vld [tilespmem:s19+$0x20]  }
0xb5: {  	v10 =	vld [tilespmem:s19+$0x2060];
	v4 =	vsub.f32 v4, v3  }
0xb6: {  	v6 =	vld [tilespmem:s19+$0x30]  }
0xb7: {  	v11 =	vld [tilespmem:s19+$0x2010];
	v5 =	vsub.f32 v5, v3;
	v4 =	vmul.f32 $1.442695020e+00, v4  }
0xb8: {  	v8 =	vld [tilespmem:s19+$0x40]  }
0xb9: {  	v7 =	vld [tilespmem:s19+$0x2070];
	(erf) = vpow2.f32 v4;
	v2 =	vsub.f32 v2, v3;
	v4 =	vmul.f32 $1.442695020e+00, v5  }
0xba: {  	v9 =	vld [tilespmem:s19+$0x50]  }
0xbb: {  	s20 =	sadd.s32 $0xFFFF0000, s21;
	v5 =	vsub.f32 v6, v3;
	v6 =	vld [tilespmem:s19+$0x2000];
	v12 =	vmul.f32 $1.442695020e+00, v2;
	(erf) = vpow2.f32 v4  }
0xbc: {  	s18 =	sor.u32 s18, s20;
	v14 =	vld [tilespmem:s19+$0x60]  }
0xbd: {  	v15 =	vld [tilespmem:s19+$0x70];
	s18 =	sxor.u32 $0x80000000, s18;
	v4 =	vsub.f32 v8, v3;
	v5 =	vmul.f32 $1.442695020e+00, v5;
	(erf) = vpow2.f32 v12  }
0xbe: {  	v2 =	vmov s18;
	v8 =	vimm.f32 $0.0e+00  }
0xbf: {  	v12 =	vsub.f32 v9, v3;
	v9 =	vld [tilespmem:s19+$0x2020];
	v16 =	vmul.f32 $1.442695020e+00, v4;
	(erf) = vpow2.f32 v5  }
0xc0: {  	v4 =	vxor.u32 $0x80000000, v7;
	v7 =	vld [tilespmem:s19+$0x2040];
	v17 =	vxor.u32 $0x80000000, v6;
	v5 =	vxor.u32 $0x80000000, v10  }
0xc1: {  	v6 =	vld [tilespmem:s19+$0x2050];
	v13 =	vmul.f32 $1.442695020e+00, v12;
	v12 =	vsub.f32 v14, v3;
	(erf) = vpow2.f32 v16  }
0xc2: {  	s20 =	simm.s32 $0x400;
	s18 =	simm.s32 $0x80;
	v10 =	vld [tilespmem:s19+$0x2030];
	vm0 =	vlt.s32 v17, v2;
	v14 =	vxor.u32 $0x80000000, v11;
	v11 =	vsub.f32 v15, v3;
	v15 =	vpop (erf)  }
.LBB2_11:
0xc3: {  	p0 =	sne.s32 s20, $0x7E00;
	v16 =	vld [tilespmem:s18+$0x0];
	v15 =	vsel vm0, $0x0, v15;
	v12 =	vmul.f32 $1.442695020e+00, v12;
	(erf) = vpow2.f32 v13  }
0xc4: {  	vm0 =	vlt.s32 v14, v2;
	v13 =	vld [tilespmem:s18+$0x10];
	[tilespmem:s19+$0x4000] =	vst v15;
	v8 =	vadd.f32 v15, v8;
	v15 =	vxor.u32 $0x80000000, v9;
	v14 =	vpop (erf)  }
0xc5: {  	v11 =	vmul.f32 $1.442695020e+00, v11;
	v14 =	vsel vm0, $0x0, v14;
	(erf) = vpow2.f32 v12  }
0xc6: {  	vm0 =	vlt.s32 v15, v2;
	v6 =	vxor.u32 $0x80000000, v6;
	v12 =	vld [tilespmem:s18+$0x20];
	[tilespmem:s19+$0x4010] =	vst v14;
	v8 =	vadd.f32 v14, v8;
	v9 =	vpop (erf)  }
0xc7: {  	v15 =	vsel vm0, $0x0, v9;
	v10 =	vxor.u32 $0x80000000, v10;
	(erf) = vpow2.f32 v11  }
0xc8: {  	v11 =	vsub.f32 v16, v3;
	v14 =	vld [tilespmem:s18+$0x30];
	[tilespmem:s19+$0x4020] =	vst v15;
	v8 =	vadd.f32 v15, v8;
	vm0 =	vlt.s32 v10, v2;
	v9 =	vpop (erf)  }
0xc9: {  	v16 =	vxor.u32 $0x80000000, v7;
	v10 =	vsub.f32 v13, v3;
	v13 =	vld [tilespmem:s18+$0x2070];
	v9 =	vsel vm0, $0x0, v9  }
0xca: {  	vm0 =	vlt.s32 v16, v2;
	v11 =	vmul.f32 $1.442695020e+00, v11;
	v15 =	vld [tilespmem:s18+$0x40];
	[tilespmem:s19+$0x4030] =	vst v9;
	v17 =	vadd.f32 v9, v8;
	v7 =	vpop (erf)  }
0xcb: {  	v9 =	vsub.f32 v12, v3;
	v12 =	vld [tilespmem:s18+$0x2060];
	v7 =	vsel vm0, $0x0, v7;
	vm0 =	vlt.s32 v6, v2  }
0xcc: {  	v6 =	vmul.f32 $1.442695020e+00, v10;
	v10 =	vld [tilespmem:s18+$0x50];
	(erf) = vpow2.f32 v11;
	[tilespmem:s19+$0x4040] =	vst v7;
	v16 =	vadd.f32 v7, v17;
	v8 =	vpop (erf)  }
0xcd: {  	v11 =	vld [tilespmem:s18+$0x2010];
	v14 =	vsub.f32 v14, v3;
	v8 =	vsel vm0, $0x0, v8;
	vm0 =	vlt.s32 v5, v2  }
0xce: {  	v9 =	vmul.f32 $1.442695020e+00, v9;
	v5 =	vld [tilespmem:s18+$0x2000];
	(erf) = vpow2.f32 v6;
	[tilespmem:s19+$0x4050] =	vst v8;
	v6 =	vadd.f32 v8, v16;
	v7 =	vpop (erf)  }
0xcf: {  	v8 =	vsub.f32 v15, v3;
	v15 =	vld [tilespmem:s18+$0x60];
	v17 =	vsel vm0, $0x0, v7;
	vm0 =	vlt.s32 v4, v2  }
0xd0: {  	v4 =	vmul.f32 $1.442695020e+00, v14;
	v16 =	vld [tilespmem:s18+$0x70];
	(erf) = vpow2.f32 v9;
	[tilespmem:s19+$0x4060] =	vst v17;
	v6 =	vadd.f32 v17, v6;
	v7 =	vpop (erf)  }
.Ltmp6:
0xd1: {  	v10 =	vsub.f32 v10, v3;
	v7 =	vsel vm0, $0x0, v7;
	(pc) =	sbr.rel @p0 .LBB2_11-.Ltmp6, $4  }
0xd2: {  	v14 =	vmul.f32 $1.442695020e+00, v8;
	v9 =	vld [tilespmem:s18+$0x2020];
	(erf) = vpow2.f32 v4;
	[tilespmem:s19+$0x4070] =	vst v7;
	v8 =	vadd.f32 v7, v6;
	s19 =	smov.u32 s18  }
0xd3: {  	v4 =	vxor.u32 $0x80000000, v13;
	v17 =	vxor.u32 $0x80000000, v5;
	v6 =	vld [tilespmem:s19+$0x2050];
	v5 =	vxor.u32 $0x80000000, v12  }
0xd4: {  	v13 =	vmul.f32 $1.442695020e+00, v10;
	v7 =	vld [tilespmem:s19+$0x2040];
	v12 =	vsub.f32 v15, v3;
	(erf) = vpow2.f32 v14  }
0xd5: {  	s18 =	sshra.s32 s20, $0x2;
	s20 =	sadd.s32 $0x200, s20;
	vm0 =	vlt.s32 v17, v2;
	v14 =	vxor.u32 $0x80000000, v11;
	v10 =	vld [tilespmem:s19+$0x2030];
	v11 =	vsub.f32 v16, v3;
	v15 =	vpop (erf)  }
0xd6: {  	v16 =	vld [tilespmem:s18+$0x0]  }
0xd7: {  	v15 =	vsel vm0, $0x0, v15;
	vm13 =	vlt.s32 v14, v2  }
0xd8: {  	v17 =	vld [tilespmem:s18+$0x10];
	v12 =	vmul.f32 $1.442695020e+00, v12;
	v21 =	vpop (erf);
	v9 =	vxor.u32 $0x80000000, v9;
	(erf) = vpow2.f32 v13  }
0xd9: {  	[tilespmem:s19+$0x4000] =	vst v15;
	v8 =	vadd.f32 v15, v8;
	v11 =	vmul.f32 $1.442695020e+00, v11;
	v14 =	vsel vm13, $0x0, v21  }
0xda: {  	v18 =	vld [tilespmem:s18+$0x20];
	vm14 =	vlt.s32 v9, v2;
	v6 =	vxor.u32 $0x80000000, v6;
	v22 =	vpop (erf);
	(erf) = vpow2.f32 v12  }
0xdb: {  	[tilespmem:s19+$0x4010] =	vst v14;
	v8 =	vadd.f32 v14, v8;
	v7 =	vxor.u32 $0x80000000, v7;
	v27 =	vsub.f32 v16, v3  }
0xdc: {  	v9 =	vsel vm14, $0x0, v22;
	v23 =	vld [tilespmem:s18+$0x30];
	v10 =	vxor.u32 $0x80000000, v10;
	(erf) = vpow2.f32 v11  }
0xdd: {  	[tilespmem:s19+$0x4020] =	vst v9;
	vm15 =	vlt.s32 v10, v2;
	v24 =	vpop (erf);
	v30 =	vsub.f32 v17, v3;
	v11 =	vmul.f32 $1.442695020e+00, v27  }
0xde: {  	vm4 =	vlt.s32 v7, v2;
	v8 =	vadd.f32 v9, v8;
	v10 =	vsel vm15, $0x0, v24;
	v26 =	vld [tilespmem:s18+$0x40]  }
0xdf: {  	v25 =	vld [tilespmem:s18+$0x2070];
	[tilespmem:s19+$0x4030] =	vst v10;
	v28 =	vpop (erf);
	v32 =	vsub.f32 v18, v3;
	v33 =	vmul.f32 $1.442695020e+00, v30;
	(erf) = vpow2.f32 v11  }
0xe0: {  	vm5 =	vlt.s32 v6, v2;
	v8 =	vadd.f32 v10, v8;
	v7 =	vsel vm4, $0x0, v28;
	v31 =	vld [tilespmem:s18+$0x50]  }
0xe1: {  	v29 =	vld [tilespmem:s18+$0x2060];
	[tilespmem:s19+$0x4040] =	vst v7;
	v13 =	vsub.f32 v23, v3;
	v10 =	vmul.f32 $1.442695020e+00, v32;
	v34 =	vpop (erf);
	(erf) = vpow2.f32 v33  }
0xe2: {  	vm6 =	vlt.s32 v5, v2;
	v7 =	vadd.f32 v7, v8;
	v37 =	vld [tilespmem:s18+$0x2000];
	v36 =	vsel vm5, $0x0, v34  }
0xe3: {  	v35 =	vld [tilespmem:s18+$0x2010];
	v40 =	vsub.f32 v26, v3;
	v13 =	vmul.f32 $1.442695020e+00, v13;
	[tilespmem:s19+$0x4050] =	vst v36;
	v39 =	vpop (erf);
	(erf) = vpow2.f32 v10  }
0xe4: {  	vm7 =	vlt.s32 v4, v2;
	v38 =	vadd.f32 v36, v7;
	v41 =	vld [tilespmem:s18+$0x60];
	v6 =	vsel vm6, $0x0, v39  }
0xe5: {  	v42 =	vld [tilespmem:s18+$0x70];
	v44 =	vpop (erf);
	v45 =	vsub.f32 v31, v3;
	v7 =	vmul.f32 $1.442695020e+00, v40;
	(erf) = vpow2.f32 v13;
	[tilespmem:s19+$0x4060] =	vst v6  }
0xe6: {  	v43 =	vadd.f32 v6, v38;
	v5 =	vsel vm7, $0x0, v44;
	v46 =	vld [tilespmem:s18+$0x2020]  }
0xe7: {  	v11 =	vxor.u32 $0x80000000, v37;
	[tilespmem:s19+$0x4070] =	vst v5;
	v47 =	vmul.f32 $1.442695020e+00, v45;
	(erf) = vpow2.f32 v7  }
0xe8: {  	v49 =	vxor.u32 $0x80000000, v35;
	v4 =	vadd.f32 v5, v43;
	vm8 =	vlt.s32 v11, v2;
	v50 =	vld [tilespmem:s18+$0x2030];
	v51 =	vpop (erf)  }
0xe9: {  	v48 =	vsub.f32 v41, v3;
	(erf) = vpow2.f32 v47;
	v11 =	vsel vm8, $0x0, v51  }
0xea: {  	v52 =	vld [tilespmem:s18+$0x2040];
	vm9 =	vlt.s32 v49, v2;
	v3 =	vsub.f32 v42, v3;
	v54 =	vpop (erf);
	v4 =	vadd.f32 v11, v4  }
0xeb: {  	v6 =	vmul.f32 $1.442695020e+00, v48;
	v53 =	vxor.u32 $0x80000000, v46;
	v10 =	vsel vm9, $0x0, v54  }
0xec: {  	v55 =	vld [tilespmem:s18+$0x2050];
	v3 =	vmul.f32 $1.442695020e+00, v3;
	vm10 =	vlt.s32 v53, v2;
	v56 =	vpop (erf);
	v4 =	vadd.f32 v10, v4  }
0xed: {  	v8 =	vxor.u32 $0x80000000, v50;
	(erf) = vpow2.f32 v6;
	v7 =	vsel vm10, $0x0, v56  }
0xee: {  	vm11 =	vlt.s32 v8, v2;
	v57 =	vpop (erf);
	(erf) = vpow2.f32 v3;
	v3 =	vadd.f32 v7, v4  }
0xef: {  	v5 =	vxor.u32 $0x80000000, v52;
	v4 =	vsel vm11, $0x0, v57  }
0xf0: {  	vm12 =	vlt.s32 v5, v2;
	v58 =	vpop (erf);
	v3 =	vadd.f32 v4, v3  }
0xf1: {  	v6 =	vxor.u32 $0x80000000, v55;
	v5 =	vsel vm12, $0x0, v58  }
0xf2: {  	vm13 =	vlt.s32 v6, v2;
	v59 =	vpop (erf);
	v3 =	vadd.f32 v5, v3  }
0xf3: {  	v6 =	vsel vm13, $0x0, v59  }
0xf4: {  	[tilespmem:s18+$0x4000] =	vst v11;
	v3 =	vadd.f32 v6, v3  }
0xf5: {  	v60 =	vxor.u32 $0x80000000, v29;
	[tilespmem:s18+$0x4010] =	vst v10  }
0xf6: {  	vm14 =	vlt.s32 v60, v2;
	[tilespmem:s18+$0x4020] =	vst v7;
	v61 =	vpop (erf)  }
0xf7: {  	v62 =	vxor.u32 $0x80000000, v25;
	[tilespmem:s18+$0x4030] =	vst v4;
	v63 =	vsel vm14, $0x0, v61  }
0xf8: {  	vm15 =	vlt.s32 v62, v2;
	[tilespmem:s18+$0x4040] =	vst v5;
	v2 =	vadd.f32 v63, v3;
	v3 =	vpop (erf)  }
0xf9: {  	[tilespmem:s18+$0x4050] =	vst v6;
	v3 =	vsel vm15, $0x0, v3  }
0xfa: {  	[tilespmem:s18+$0x4060] =	vst v63;
	v2 =	vadd.f32 v3, v2  }
0xfb: {  	[tilespmem:s18+$0x4070] =	vst v3  }
0xfc: {  	[tilespmem:$0x6200] =	vst v2  }
0xfd: {  	[hbm4b:s5+s9] =	stream.strided.scatter [tilespmem:s15], [sflag:$0x1], $0x2000, s10, s9, $0x38;
	[tilespmem:$0x6280] =	vst v63  }
0xfe: {  	s17 =	sadd.s32 $0x1, s17;
	_ =	swait.ge [sflag:s11], $0x2000  }
0xff: {  	p0 =	sne.s32 s17, s8;
	[sflag:s11] =	ssyncset.done $0x0  }
.Ltmp7:
0x100: {  	[sflag:s11] =	ssyncadd.s32 $0xFFFFE000;
	(pc) =	sbr.rel @p0 .LBB2_2-.Ltmp7, $4  }
0x101: {  	[hbm4b:s6+s2] =	stream.linear.scatter [tilespmem:s16], [sflag:$0x1], $0x80, $0x38;
	[tilespmem:$0x6280] =	vst v63  }
0x102: {  	_ =	swait.ge [sflag:s11], $0x80  }
0x103: {  	[sflag:s11] =	ssyncset.done $0x0  }
0x104: {  	[sflag:s11] =	ssyncadd.s32 $0xFFFFFF80  }
.LBB2_13:
0x105: {  	_ =	sfence.sel $0x180000  }
0x106: {  	[bflag:$0x0] =	sbarrier.arrive $0xFFFF  }
0x107: {  	p0 =	sne.s32 s1, $0x0;
	_ =	strace $0x90000047  }
0x108: {  	s0 =	sadd.s32 @!p0 $0x100000, s0;
	[bflag:$0x2] =	sbarrier.arrive $0xFFFF  }
0x109: {  	[sflag:s0] =	ssyncadd.tile.s32 @!p0 $0x1;
	_ =	shalt  }
.Lfunc_end2:
_tile_overlayer_lowered:
.L_overlay_start_2:
0x10a: {  	(tag) =	ssettag $0x2  }
0x10b: {  	s0 =	rddreg [dreg:$0x0];
	s2 =	stileid.u32  }
0x10c: {  	s1 =	rddreg [dreg:$0x1];
	p0 =	sne.s32 s2, $0x0  }
0x10d: {  	s3 =	rddreg [dreg:$0x2];
	[bflag:$0x3] =	sbarrier.arrive $0xFFFF;
	s2 =	simm.s32 @!p0 $0x1C01  }
0x10e: {  	[timem:s3], [sflag:s2] =	dma.local @!p0 [hbm:s0], s1  }
0x10f: {  	s0 =	simm.s32 @!p0 $0x1  }
0x110: {  	_ =	swait.ge @!p0 [sflag:s0], s1  }
0x111: {  	s1 =	ssub.s32 @!p0 $0x0, s1;
	[sflag:s0] =	ssyncset.done @!p0 $0x0  }
0x112: {  	[sflag:s0] =	ssyncadd.s32 @!p0 s1  }
0x113: {  	[bflag:$0x3] =	sbarrier.arrive $0xFFFF  }
0x114: {  	_ =	shalt  }

</sc_bundles>
